<compile_context>
chip_gen: v7x
topology: tpu7x:2x2x1
jax: 0.10.2.dev20260603
libtpu: 0.0.44.dev20260713+nightly
codegen_flags: <defaults>
</compile_context>

<pallas_src>
import functools

import jax
import jax.numpy as jnp
from jax import lax
from jax.experimental import pallas as pl
from jax.experimental.pallas import tpu as pltpu
from jax.experimental.pallas import tpu_sc as plsc

N_NODES = 10000
N_EDGES = 320000
EMB = 128

NC = 2
NS = 16
NW = NC * NS
C = 40
K = 2
NCH = N_EDGES // C
TCH = NCH // NW
ITERS = TCH // K
IBLK = 10
ZROWS = 40
NODE_CHUNKS = N_NODES // ZROWS
RR = -(-NODE_CHUNKS // NS)


@functools.partial(
    pl.kernel,
    mesh=plsc.VectorSubcoreMesh(core_axis_name="c", subcore_axis_name="s"),
    out_type=jax.ShapeDtypeStruct((NC, N_NODES, EMB), jnp.float32),
    scratch_types=[
        pltpu.VMEM((IBLK, 2, C), jnp.int32),
        pltpu.VMEM((K, C, EMB), jnp.float32),
        pltpu.VMEM((K, C, EMB), jnp.float32),
        pltpu.VMEM_SHARED((N_NODES, EMB), jnp.float32),
        pltpu.SemaphoreType.DMA,
        pltpu.SemaphoreType.DMA,
        pltpu.SemaphoreType.DMA,
        pltpu.SemaphoreType.DMA,
        pltpu.SemaphoreType.DMA,
        pltpu.SemaphoreType.DMA,
    ],
)
def _edge_agg(x_hbm, idx_hbm, ea_hbm, out_hbm,
              idx_v, gbuf, ebuf, agg_sh,
              g0, g1, e0, e1, s0, s1):
    gsems = (g0, g1)
    esems = (e0, e1)
    ssems = (s0, s1)
    c = lax.axis_index("c")
    s = lax.axis_index("s")
    w = c * NS + s
    qbase = w * TCH

    def _zrow(i, _):
        for k in range(EMB // 16):
            ebuf[0, i, pl.ds(k * 16, 16)] = jnp.zeros((16,), jnp.float32)
        return 0
    lax.fori_loop(0, ZROWS, _zrow, 0)

    def _zero(i, _):
        j = s + i * NS

        @pl.when(j < NODE_CHUNKS)
        def _():
            pltpu.sync_copy(ebuf.at[0], agg_sh.at[pl.ds(j * ZROWS, ZROWS)])
        return 0
    lax.fori_loop(0, RR, _zero, 0)
    plsc.subcore_barrier()

    def _iter(i, _):
        q0 = qbase + i * K
        local = lax.rem(i, IBLK // K) * K

        @pl.when(lax.rem(i, IBLK // K) == 0)
        def _():
            pltpu.sync_copy(idx_hbm.at[pl.ds(q0, IBLK)], idx_v)

        gd = [pltpu.async_copy(x_hbm.at[idx_v.at[local + k, 0]],
                               gbuf.at[k], gsems[k])
              for k in range(K)]
        ed = [pltpu.async_copy(ea_hbm.at[q0 + k],
                               ebuf.at[k], esems[k])
              for k in range(K)]

        sd = []
        for k in range(K):
            gd[k].wait()
            ed[k].wait()

            def _row(r, _, k=k):
                for t in range(EMB // 16):
                    cs = pl.ds(t * 16, 16)
                    v = gbuf[k, r, cs] + ebuf[k, r, cs]
                    ebuf[k, r, cs] = jnp.maximum(v, 0.0)
                return 0
            lax.fori_loop(0, C, _row, 0)

            sd.append(pltpu.async_copy(
                ebuf.at[k], agg_sh.at[idx_v.at[local + k, 1]],
                ssems[k], add=True))

        for d in sd:
            d.wait()
        return 0
    lax.fori_loop(0, ITERS, _iter, 0)

    plsc.subcore_barrier()

    def _out(i, _):
        j = s + i * NS

        @pl.when(j < NODE_CHUNKS)
        def _():
            b = j * ZROWS
            pltpu.sync_copy(agg_sh.at[pl.ds(b, ZROWS)],
                            out_hbm.at[c].at[pl.ds(b, ZROWS)])
        return 0
    lax.fori_loop(0, RR, _out, 0)


def _mlp_body(x_ref, a0_ref, a1_ref, w1_ref, b1_ref, w2_ref, b2_ref, o_ref):
    h = x_ref[...] + a0_ref[...] + a1_ref[...]
    h = jnp.dot(h, w1_ref[...], preferred_element_type=jnp.float32)
    h = jnp.maximum(h + b1_ref[...], 0.0)
    o_ref[...] = (
        jnp.dot(h, w2_ref[...], preferred_element_type=jnp.float32)
        + b2_ref[...]
    )


_ROW_BLK = 1000


def _mlp(x, a0, a1, W1, b1, W2, b2):
    return pl.pallas_call(
        _mlp_body,
        grid=(N_NODES // _ROW_BLK,),
        in_specs=[
            pl.BlockSpec((_ROW_BLK, EMB), lambda i: (i, 0)),
            pl.BlockSpec((_ROW_BLK, EMB), lambda i: (i, 0)),
            pl.BlockSpec((_ROW_BLK, EMB), lambda i: (i, 0)),
            pl.BlockSpec((EMB, 2 * EMB), lambda i: (0, 0)),
            pl.BlockSpec((1, 2 * EMB), lambda i: (0, 0)),
            pl.BlockSpec((2 * EMB, EMB), lambda i: (0, 0)),
            pl.BlockSpec((1, EMB), lambda i: (0, 0)),
        ],
        out_specs=pl.BlockSpec((_ROW_BLK, EMB), lambda i: (i, 0)),
        out_shape=jax.ShapeDtypeStruct((N_NODES, EMB), jnp.float32),
    )(x, a0, a1, W1, b1.reshape(1, -1), W2, b2.reshape(1, -1))


@jax.jit
def kernel(x, edge_index, edge_attr, W1, b1, W2, b2):
    ei = edge_index.astype(jnp.int32).reshape(2, NCH, C)
    idx = jnp.swapaxes(ei, 0, 1)
    ea = edge_attr.reshape(NCH, C, EMB)
    partials = _edge_agg(x, idx, ea)
    return _mlp(x, partials[0], partials[1], W1, b1, W2, b2)

# --- scband reference (transcript-rebuilt; emitter-appended) ---
"""Pipeline reference for scband-block2-d-31576599560334 (READ-ONLY COPY).

The authoritative reference and input builder live on the scoring server;
editing this copy changes nothing except your own understanding.
"""

import jax, jax.numpy as jnp
import numpy as np

N_NODES = 10000
N_EDGES = 320000
EMB = 128


def setup_inputs(seed: int = 0) -> dict:
    key = jax.random.key(seed)
    k1, k2, k3, k4, k5, k6, k7 = jax.random.split(key, 7)
    x = jax.random.normal(k1, (N_NODES, EMB), dtype=jnp.float32)
    edge_index = jax.random.randint(k2, (2, N_EDGES), 0, N_NODES, dtype=jnp.int64)
    edge_attr = jax.random.normal(k3, (N_EDGES, EMB), dtype=jnp.float32)
    # GINBlock MLP params: Linear(emb, 2*emb) -> ReLU -> Linear(2*emb, emb)
    W1 = jax.random.normal(k4, (EMB, 2 * EMB), dtype=jnp.float32) * 0.05
    b1 = jnp.zeros((2 * EMB,), dtype=jnp.float32)
    W2 = jax.random.normal(k5, (2 * EMB, EMB), dtype=jnp.float32) * 0.05
    b2 = jnp.zeros((EMB,), dtype=jnp.float32)
    return {"x": x, "edge_index": edge_index, "edge_attr": edge_attr,
            "W1": W1, "b1": b1, "W2": W2, "b2": b2}


def reference(x, edge_index, edge_attr, W1, b1, W2, b2):
    # GIN message passing (pretrain-gnns style GINConv with eps=0):
    #   message_e = relu(x[src_e] + edge_attr_e)
    #   aggr_v    = sum over incoming edges (scatter-add by dst)
    #   out_v     = MLP((1+eps)*x_v + aggr_v)
    src = edge_index[0]
    dst = edge_index[1]
    msgs = jax.nn.relu(jnp.take(x, src, axis=0) + edge_attr)
    agg = jax.ops.segment_sum(msgs, dst, num_segments=x.shape[0])
    h = x + agg  # eps = 0
    h = jnp.dot(h, W1) + b1
    h = jax.nn.relu(h)
    h = jnp.dot(h, W2) + b2
    return h

if __name__ == "__main__":
    import jax
    _d = setup_inputs()
    print(jax.jit(kernel)(*tuple(_d.values())))

</pallas_src>

<mosaic_0001>
#map = affine_map<(d0, d1) -> (0, 0)>
#map1 = affine_map<(d0, d1) -> (0, 0, 0)>
module attributes {stable_mosaic.version = 14 : i64} {
  func.func @_edge_agg(%arg0: i32, %arg1: i32, %arg2: memref<10000x128xf32, #tpu.memory_space<hbm>>, %arg3: memref<8000x2x40xi32, #tpu.memory_space<hbm>>, %arg4: memref<8000x40x128xf32, #tpu.memory_space<hbm>>, %arg5: memref<2x10000x128xf32, #tpu.memory_space<hbm>>, %arg6: memref<10x2x40xi32, #tpu.memory_space<vmem>>, %arg7: memref<2x40x128xf32, #tpu.memory_space<vmem>>, %arg8: memref<2x40x128xf32, #tpu.memory_space<vmem>>, %arg9: memref<10000x128xf32, #tpu.memory_space<vmem_shared>>, %arg10: memref<!tpu.dma_semaphore, #tpu.memory_space<semaphore_mem>>, %arg11: memref<!tpu.dma_semaphore, #tpu.memory_space<semaphore_mem>>, %arg12: memref<!tpu.dma_semaphore, #tpu.memory_space<semaphore_mem>>, %arg13: memref<!tpu.dma_semaphore, #tpu.memory_space<semaphore_mem>>, %arg14: memref<!tpu.dma_semaphore, #tpu.memory_space<semaphore_mem>>, %arg15: memref<!tpu.dma_semaphore, #tpu.memory_space<semaphore_mem>>) attributes {dimension_semantics = [#tpu.dimension_semantics<core_parallel>, #tpu.dimension_semantics<subcore_parallel>], iteration_bounds = array<i64: 2, 16>, scalar_prefetch = 0 : i64, scratch_operands = 10 : i64, tpu.core_type = #tpu.core_type<sc_vector_subcore>, window_params = [{transform_indices = #map}, {transform_indices = #map1}, {transform_indices = #map1}, {transform_indices = #map1}]} {
    %mul3A = arith.constant 16 : i32
    %mul3A_0 = arith.muli %arg0, %mul3A : i32
    %add3A = arith.addi %mul3A_0, %arg1 : i32
    %mul3A_1 = arith.constant 250 : i32
    %mul3A_2 = arith.muli %add3A, %mul3A_1 : i32
    %scan3A = arith.constant 0 : i32
    %scan3A_3 = arith.constant 0 : i32
    %scan3A_4 = arith.constant 40 : i32
    %scan3A_5 = arith.addi %scan3A_3, %scan3A_4 : i32
    %scan3A_6 = arith.constant 1 : i32
    %scan3A_7 = scf.for %scan3A_31 = %scan3A_3 to %scan3A_5 step %scan3A_6 iter_args(%scan3A_32 = %scan3A) -> (i32)  : i32 {
      %broadcast_in_dim3A = arith.constant 0.000000e+00 : f32
      %broadcast_in_dim3A_33 = vector.broadcast %broadcast_in_dim3A : f32 to vector<16xf32>
      %swap3A = arith.constant 0 : i32
      %swap3A_34 = arith.index_cast %swap3A : i32 to index
      %swap3A_35 = arith.index_cast %scan3A_31 : i32 to index
      %swap3A_36 = arith.constant 0 : index
      %swap3A_37 = tpu.vector_load %arg8[%swap3A_34, %swap3A_35, %swap3A_36] {strides = array<i32>} : memref<2x40x128xf32, #tpu.memory_space<vmem>>, vector<1x1x16xf32>,
      %swap3A_38 = vector.shape_cast %swap3A_37 : vector<1x1x16xf32> to vector<16xf32>
      %swap3A_39 = vector.shape_cast %broadcast_in_dim3A_33 : vector<16xf32> to vector<1x1x16xf32>
      tpu.vector_store %arg8[%swap3A_34, %swap3A_35, %swap3A_36], %swap3A_39 {strides = array<i32>} : memref<2x40x128xf32, #tpu.memory_space<vmem>>, vector<1x1x16xf32>,
      %broadcast_in_dim3A_40 = arith.constant 0.000000e+00 : f32
      %broadcast_in_dim3A_41 = vector.broadcast %broadcast_in_dim3A_40 : f32 to vector<16xf32>
      %swap3A_42 = arith.constant 0 : i32
      %swap3A_43 = arith.index_cast %swap3A_42 : i32 to index
      %swap3A_44 = arith.index_cast %scan3A_31 : i32 to index
      %swap3A_45 = arith.constant 16 : index
      %swap3A_46 = tpu.vector_load %arg8[%swap3A_43, %swap3A_44, %swap3A_45] {strides = array<i32>} : memref<2x40x128xf32, #tpu.memory_space<vmem>>, vector<1x1x16xf32>,
      %swap3A_47 = vector.shape_cast %swap3A_46 : vector<1x1x16xf32> to vector<16xf32>
      %swap3A_48 = vector.shape_cast %broadcast_in_dim3A_41 : vector<16xf32> to vector<1x1x16xf32>
      tpu.vector_store %arg8[%swap3A_43, %swap3A_44, %swap3A_45], %swap3A_48 {strides = array<i32>} : memref<2x40x128xf32, #tpu.memory_space<vmem>>, vector<1x1x16xf32>,
      %broadcast_in_dim3A_49 = arith.constant 0.000000e+00 : f32
      %broadcast_in_dim3A_50 = vector.broadcast %broadcast_in_dim3A_49 : f32 to vector<16xf32>
      %swap3A_51 = arith.constant 0 : i32
      %swap3A_52 = arith.index_cast %swap3A_51 : i32 to index
      %swap3A_53 = arith.index_cast %scan3A_31 : i32 to index
      %swap3A_54 = arith.constant 32 : index
      %swap3A_55 = tpu.vector_load %arg8[%swap3A_52, %swap3A_53, %swap3A_54] {strides = array<i32>} : memref<2x40x128xf32, #tpu.memory_space<vmem>>, vector<1x1x16xf32>,
      %swap3A_56 = vector.shape_cast %swap3A_55 : vector<1x1x16xf32> to vector<16xf32>
      %swap3A_57 = vector.shape_cast %broadcast_in_dim3A_50 : vector<16xf32> to vector<1x1x16xf32>
      tpu.vector_store %arg8[%swap3A_52, %swap3A_53, %swap3A_54], %swap3A_57 {strides = array<i32>} : memref<2x40x128xf32, #tpu.memory_space<vmem>>, vector<1x1x16xf32>,
      %broadcast_in_dim3A_58 = arith.constant 0.000000e+00 : f32
      %broadcast_in_dim3A_59 = vector.broadcast %broadcast_in_dim3A_58 : f32 to vector<16xf32>
      %swap3A_60 = arith.constant 0 : i32
      %swap3A_61 = arith.index_cast %swap3A_60 : i32 to index
      %swap3A_62 = arith.index_cast %scan3A_31 : i32 to index
      %swap3A_63 = arith.constant 48 : index
      %swap3A_64 = tpu.vector_load %arg8[%swap3A_61, %swap3A_62, %swap3A_63] {strides = array<i32>} : memref<2x40x128xf32, #tpu.memory_space<vmem>>, vector<1x1x16xf32>,
      %swap3A_65 = vector.shape_cast %swap3A_64 : vector<1x1x16xf32> to vector<16xf32>
      %swap3A_66 = vector.shape_cast %broadcast_in_dim3A_59 : vector<16xf32> to vector<1x1x16xf32>
      tpu.vector_store %arg8[%swap3A_61, %swap3A_62, %swap3A_63], %swap3A_66 {strides = array<i32>} : memref<2x40x128xf32, #tpu.memory_space<vmem>>, vector<1x1x16xf32>,
      %broadcast_in_dim3A_67 = arith.constant 0.000000e+00 : f32
      %broadcast_in_dim3A_68 = vector.broadcast %broadcast_in_dim3A_67 : f32 to vector<16xf32>
      %swap3A_69 = arith.constant 0 : i32
      %swap3A_70 = arith.index_cast %swap3A_69 : i32 to index
      %swap3A_71 = arith.index_cast %scan3A_31 : i32 to index
      %swap3A_72 = arith.constant 64 : index
      %swap3A_73 = tpu.vector_load %arg8[%swap3A_70, %swap3A_71, %swap3A_72] {strides = array<i32>} : memref<2x40x128xf32, #tpu.memory_space<vmem>>, vector<1x1x16xf32>,
      %swap3A_74 = vector.shape_cast %swap3A_73 : vector<1x1x16xf32> to vector<16xf32>
      %swap3A_75 = vector.shape_cast %broadcast_in_dim3A_68 : vector<16xf32> to vector<1x1x16xf32>
      tpu.vector_store %arg8[%swap3A_70, %swap3A_71, %swap3A_72], %swap3A_75 {strides = array<i32>} : memref<2x40x128xf32, #tpu.memory_space<vmem>>, vector<1x1x16xf32>,
      %broadcast_in_dim3A_76 = arith.constant 0.000000e+00 : f32
      %broadcast_in_dim3A_77 = vector.broadcast %broadcast_in_dim3A_76 : f32 to vector<16xf32>
      %swap3A_78 = arith.constant 0 : i32
      %swap3A_79 = arith.index_cast %swap3A_78 : i32 to index
      %swap3A_80 = arith.index_cast %scan3A_31 : i32 to index
      %swap3A_81 = arith.constant 80 : index
      %swap3A_82 = tpu.vector_load %arg8[%swap3A_79, %swap3A_80, %swap3A_81] {strides = array<i32>} : memref<2x40x128xf32, #tpu.memory_space<vmem>>, vector<1x1x16xf32>,
      %swap3A_83 = vector.shape_cast %swap3A_82 : vector<1x1x16xf32> to vector<16xf32>
      %swap3A_84 = vector.shape_cast %broadcast_in_dim3A_77 : vector<16xf32> to vector<1x1x16xf32>
      tpu.vector_store %arg8[%swap3A_79, %swap3A_80, %swap3A_81], %swap3A_84 {strides = array<i32>} : memref<2x40x128xf32, #tpu.memory_space<vmem>>, vector<1x1x16xf32>,
      %broadcast_in_dim3A_85 = arith.constant 0.000000e+00 : f32
      %broadcast_in_dim3A_86 = vector.broadcast %broadcast_in_dim3A_85 : f32 to vector<16xf32>
      %swap3A_87 = arith.constant 0 : i32
      %swap3A_88 = arith.index_cast %swap3A_87 : i32 to index
      %swap3A_89 = arith.index_cast %scan3A_31 : i32 to index
      %swap3A_90 = arith.constant 96 : index
      %swap3A_91 = tpu.vector_load %arg8[%swap3A_88, %swap3A_89, %swap3A_90] {strides = array<i32>} : memref<2x40x128xf32, #tpu.memory_space<vmem>>, vector<1x1x16xf32>,
      %swap3A_92 = vector.shape_cast %swap3A_91 : vector<1x1x16xf32> to vector<16xf32>
      %swap3A_93 = vector.shape_cast %broadcast_in_dim3A_86 : vector<16xf32> to vector<1x1x16xf32>
      tpu.vector_store %arg8[%swap3A_88, %swap3A_89, %swap3A_90], %swap3A_93 {strides = array<i32>} : memref<2x40x128xf32, #tpu.memory_space<vmem>>, vector<1x1x16xf32>,
      %broadcast_in_dim3A_94 = arith.constant 0.000000e+00 : f32
      %broadcast_in_dim3A_95 = vector.broadcast %broadcast_in_dim3A_94 : f32 to vector<16xf32>
      %swap3A_96 = arith.constant 0 : i32
      %swap3A_97 = arith.index_cast %swap3A_96 : i32 to index
      %swap3A_98 = arith.index_cast %scan3A_31 : i32 to index
      %swap3A_99 = arith.constant 112 : index
      %swap3A_100 = tpu.vector_load %arg8[%swap3A_97, %swap3A_98, %swap3A_99] {strides = array<i32>} : memref<2x40x128xf32, #tpu.memory_space<vmem>>, vector<1x1x16xf32>,
      %swap3A_101 = vector.shape_cast %swap3A_100 : vector<1x1x16xf32> to vector<16xf32>
      %swap3A_102 = vector.shape_cast %broadcast_in_dim3A_95 : vector<16xf32> to vector<1x1x16xf32>
      tpu.vector_store %arg8[%swap3A_97, %swap3A_98, %swap3A_99], %swap3A_102 {strides = array<i32>} : memref<2x40x128xf32, #tpu.memory_space<vmem>>, vector<1x1x16xf32>,
      %scan3A_103 = arith.constant 0 : i32
      scf.yield %scan3A_103 : i32
    }
    %scan3A_8 = arith.constant 40 : i32
    %scan3A_9 = arith.constant 0 : i32
    %scan3A_10 = arith.constant 0 : i32
    %scan3A_11 = arith.constant 16 : i32
    %scan3A_12 = arith.addi %scan3A_10, %scan3A_11 : i32
    %scan3A_13 = arith.constant 1 : i32
    %scan3A_14 = scf.for %scan3A_31 = %scan3A_10 to %scan3A_12 step %scan3A_13 iter_args(%scan3A_32 = %scan3A_9) -> (i32)  : i32 {
      %mul3A_33 = arith.constant 16 : i32
      %mul3A_34 = arith.muli %scan3A_31, %mul3A_33 : i32
      %add3A_35 = arith.addi %arg1, %mul3A_34 : i32
      %lt3A = arith.constant 250 : i32
      %lt3A_36 = arith.cmpi slt, %add3A_35, %lt3A : i32
      %convert_element_type3A = arith.extui %lt3A_36 : i1 to i32
      %cond3A = arith.constant 0 : i32
      %cond3A_37 = arith.cmpi ne, %convert_element_type3A, %cond3A : i32
      scf.if %cond3A_37 {
        %mul3A_39 = arith.constant 40 : i32
        %mul3A_40 = arith.muli %add3A_35, %mul3A_39 : i32
        %run_scoped3A = arith.constant 0 : i32
        "tpu.region"() ({
          %run_scoped3A_41 = tpu.sem_alloc : memref<!tpu.dma_semaphore, #tpu.memory_space<semaphore_mem>>
          %dma_start3A = arith.constant 0 : i32
          %dma_start3A_42 = arith.constant 0 : i32
          %dma_start3A_43 = tpu.memref_slice %arg8[%run_scoped3A, %dma_start3A, %dma_start3A_42] : memref<2x40x128xf32, #tpu.memory_space<vmem>> -> memref<1x40x128xf32, #tpu.memory_space<vmem>>
          %dma_start3A_44 = tpu.memref_squeeze %dma_start3A_43 : memref<1x40x128xf32, #tpu.memory_space<vmem>> -> memref<40x128xf32, #tpu.memory_space<vmem>>
          %dma_start3A_45 = arith.constant 0 : i32
          %dma_start3A_46 = tpu.memref_slice %arg9[%mul3A_40, %dma_start3A_45] : memref<10000x128xf32, #tpu.memory_space<vmem_shared>> -> memref<40x128xf32, #tpu.memory_space<vmem_shared>>
          %dma_start3A_47 = arith.constant 0 : i32
          %dma_start3A_48 = tpu.memref_slice %arg9[%mul3A_40, %dma_start3A_47] : memref<10000x128xf32, #tpu.memory_space<vmem_shared>> -> memref<40x128xf32, #tpu.memory_space<vmem_shared>>
          %dma_start3A_49 = arith.constant 0 : i32
          %dma_start3A_50 = arith.constant 0 : i32
          %dma_start3A_51 = tpu.memref_slice %arg8[%run_scoped3A, %dma_start3A_49, %dma_start3A_50] : memref<2x40x128xf32, #tpu.memory_space<vmem>> -> memref<1x40x128xf32, #tpu.memory_space<vmem>>
          %dma_start3A_52 = tpu.memref_squeeze %dma_start3A_51 : memref<1x40x128xf32, #tpu.memory_space<vmem>> -> memref<40x128xf32, #tpu.memory_space<vmem>>
          tpu.enqueue_dma source(%dma_start3A_52 : memref<40x128xf32, #tpu.memory_space<vmem>>) target(%dma_start3A_48 : memref<40x128xf32, #tpu.memory_space<vmem_shared>>) target_semaphore(%run_scoped3A_41 : memref<!tpu.dma_semaphore, #tpu.memory_space<semaphore_mem>>)
          %dma_wait3A = arith.constant 0 : i32
          %dma_wait3A_53 = arith.constant 0 : i32
          %dma_wait3A_54 = tpu.memref_slice %arg8[%run_scoped3A, %dma_wait3A, %dma_wait3A_53] : memref<2x40x128xf32, #tpu.memory_space<vmem>> -> memref<1x40x128xf32, #tpu.memory_space<vmem>>
          %dma_wait3A_55 = tpu.memref_squeeze %dma_wait3A_54 : memref<1x40x128xf32, #tpu.memory_space<vmem>> -> memref<40x128xf32, #tpu.memory_space<vmem>>
          %dma_wait3A_56 = arith.constant 0 : i32
          %dma_wait3A_57 = tpu.memref_slice %arg9[%mul3A_40, %dma_wait3A_56] : memref<10000x128xf32, #tpu.memory_space<vmem_shared>> -> memref<40x128xf32, #tpu.memory_space<vmem_shared>>
          %dma_wait3A_58 = arith.constant 0 : i32
          %dma_wait3A_59 = tpu.memref_slice %arg9[%mul3A_40, %dma_wait3A_58] : memref<10000x128xf32, #tpu.memory_space<vmem_shared>> -> memref<40x128xf32, #tpu.memory_space<vmem_shared>>
          %dma_wait3A_60 = arith.constant 0 : i32
          %dma_wait3A_61 = arith.constant 0 : i32
          %dma_wait3A_62 = tpu.memref_slice %arg8[%run_scoped3A, %dma_wait3A_60, %dma_wait3A_61] : memref<2x40x128xf32, #tpu.memory_space<vmem>> -> memref<1x40x128xf32, #tpu.memory_space<vmem>>
          %dma_wait3A_63 = tpu.memref_squeeze %dma_wait3A_62 : memref<1x40x128xf32, #tpu.memory_space<vmem>> -> memref<40x128xf32, #tpu.memory_space<vmem>>
          tpu.wait_dma2 semaphore(%run_scoped3A_41 : memref<!tpu.dma_semaphore, #tpu.memory_space<semaphore_mem>>) src(%dma_wait3A_63 : memref<40x128xf32, #tpu.memory_space<vmem>>) dst(%dma_wait3A_59 : memref<40x128xf32, #tpu.memory_space<vmem_shared>>)
          tpu.yield
        }) : () -> ()
      } else {
      }
      %scan3A_38 = arith.constant 0 : i32
      scf.yield %scan3A_38 : i32
    }
    %scan3A_15 = arith.constant 16 : i32
    %barrier3A = arith.constant 0 : index
    tpu.barrier barrier_id(%barrier3A)
    %scan3A_16 = arith.constant 0 : i32
    %scan3A_17 = arith.constant 0 : i32
    %scan3A_18 = arith.constant 125 : i32
    %scan3A_19 = arith.addi %scan3A_17, %scan3A_18 : i32
    %scan3A_20 = arith.constant 1 : i32
    %scan3A_21 = scf.for %scan3A_31 = %scan3A_17 to %scan3A_19 step %scan3A_20 iter_args(%scan3A_32 = %scan3A_16) -> (i32)  : i32 {
      %mul3A_33 = arith.constant 2 : i32
      %mul3A_34 = arith.muli %scan3A_31, %mul3A_33 : i32
      %add3A_35 = arith.addi %mul3A_2, %mul3A_34 : i32
      %rem3A = arith.constant 5 : i32
      %rem3A_36 = arith.remsi %scan3A_31, %rem3A : i32
      %mul3A_37 = arith.constant 2 : i32
      %mul3A_38 = arith.muli %rem3A_36, %mul3A_37 : i32
      %rem3A_39 = arith.constant 5 : i32
      %rem3A_40 = arith.remsi %scan3A_31, %rem3A_39 : i32
      %eq3A = arith.constant 0 : i32
      %eq3A_41 = arith.cmpi eq, %rem3A_40, %eq3A : i32
      %convert_element_type3A = arith.extui %eq3A_41 : i1 to i32
      %cond3A = arith.constant 0 : i32
      %cond3A_42 = arith.cmpi ne, %convert_element_type3A, %cond3A : i32
      scf.if %cond3A_42 {
        "tpu.region"() ({
          %run_scoped3A = tpu.sem_alloc : memref<!tpu.dma_semaphore, #tpu.memory_space<semaphore_mem>>
          %dma_start3A_232 = arith.constant 0 : i32
          %dma_start3A_233 = arith.constant 0 : i32
          %dma_start3A_234 = tpu.memref_slice %arg3[%add3A_35, %dma_start3A_232, %dma_start3A_233] : memref<8000x2x40xi32, #tpu.memory_space<hbm>> -> memref<10x2x40xi32, #tpu.memory_space<hbm>>
          %dma_start3A_235 = arith.constant 0 : i32
          %dma_start3A_236 = arith.constant 0 : i32
          %dma_start3A_237 = tpu.memref_slice %arg3[%add3A_35, %dma_start3A_235, %dma_start3A_236] : memref<8000x2x40xi32, #tpu.memory_space<hbm>> -> memref<10x2x40xi32, #tpu.memory_space<hbm>>
          tpu.enqueue_dma source(%dma_start3A_237 : memref<10x2x40xi32, #tpu.memory_space<hbm>>) target(%arg6 : memref<10x2x40xi32, #tpu.memory_space<vmem>>) target_semaphore(%run_scoped3A : memref<!tpu.dma_semaphore, #tpu.memory_space<semaphore_mem>>)
          %dma_wait3A_238 = arith.constant 0 : i32
          %dma_wait3A_239 = arith.constant 0 : i32
          %dma_wait3A_240 = tpu.memref_slice %arg3[%add3A_35, %dma_wait3A_238, %dma_wait3A_239] : memref<8000x2x40xi32, #tpu.memory_space<hbm>> -> memref<10x2x40xi32, #tpu.memory_space<hbm>>
          %dma_wait3A_241 = arith.constant 0 : i32
          %dma_wait3A_242 = arith.constant 0 : i32
          %dma_wait3A_243 = tpu.memref_slice %arg3[%add3A_35, %dma_wait3A_241, %dma_wait3A_242] : memref<8000x2x40xi32, #tpu.memory_space<hbm>> -> memref<10x2x40xi32, #tpu.memory_space<hbm>>
          tpu.wait_dma2 semaphore(%run_scoped3A : memref<!tpu.dma_semaphore, #tpu.memory_space<semaphore_mem>>) src(%dma_wait3A_243 : memref<10x2x40xi32, #tpu.memory_space<hbm>>) dst(%arg6 : memref<10x2x40xi32, #tpu.memory_space<vmem>>)
          tpu.yield
        }) : () -> ()
      } else {
      }
      %add3A_43 = arith.constant 0 : i32
      %add3A_44 = arith.addi %mul3A_38, %add3A_43 : i32
      %dma_start3A = arith.constant 0 : i32
      %dma_start3A_45 = arith.constant 0 : i32
      %dma_start3A_46 = arith.constant 0 : i32
      %dma_start3A_47 = arith.constant 0 : i32
      %dma_start3A_48 = tpu.memref_slice %arg7[%dma_start3A_45, %dma_start3A_46, %dma_start3A_47] : memref<2x40x128xf32, #tpu.memory_space<vmem>> -> memref<1x40x128xf32, #tpu.memory_space<vmem>>
      %dma_start3A_49 = tpu.memref_squeeze %dma_start3A_48 : memref<1x40x128xf32, #tpu.memory_space<vmem>> -> memref<40x128xf32, #tpu.memory_space<vmem>>
      %dma_start3A_50 = arith.constant 0 : i32
      %dma_start3A_51 = tpu.memref_slice %arg6[%add3A_44, %dma_start3A, %dma_start3A_50] : memref<10x2x40xi32, #tpu.memory_space<vmem>> -> memref<1x1x40xi32, #tpu.memory_space<vmem>>
      %dma_start3A_52 = tpu.memref_squeeze %dma_start3A_51 : memref<1x1x40xi32, #tpu.memory_space<vmem>> -> memref<40xi32, #tpu.memory_space<vmem>>
      %dma_start3A_53 = arith.constant 0 : i32
      %dma_start3A_54 = arith.constant 0 : i32
      %dma_start3A_55 = tpu.memref_slice %arg2[%dma_start3A_53, %dma_start3A_54] : memref<10000x128xf32, #tpu.memory_space<hbm>> -> memref<10000x128xf32, #tpu.memory_space<hbm>>
      tpu.enqueue_indirect_dma source(%dma_start3A_55 : memref<10000x128xf32, #tpu.memory_space<hbm>>) target(%dma_start3A_49 : memref<40x128xf32, #tpu.memory_space<vmem>>) offsets(%dma_start3A_52 : memref<40xi32, #tpu.memory_space<vmem>>) semaphore(%arg10 : memref<!tpu.dma_semaphore, #tpu.memory_space<semaphore_mem>>)
      %add3A_56 = arith.constant 1 : i32
      %add3A_57 = arith.addi %mul3A_38, %add3A_56 : i32
      %dma_start3A_58 = arith.constant 0 : i32
      %dma_start3A_59 = arith.constant 1 : i32
      %dma_start3A_60 = arith.constant 0 : i32
      %dma_start3A_61 = arith.constant 0 : i32
      %dma_start3A_62 = tpu.memref_slice %arg7[%dma_start3A_59, %dma_start3A_60, %dma_start3A_61] : memref<2x40x128xf32, #tpu.memory_space<vmem>> -> memref<1x40x128xf32, #tpu.memory_space<vmem>>
      %dma_start3A_63 = tpu.memref_squeeze %dma_start3A_62 : memref<1x40x128xf32, #tpu.memory_space<vmem>> -> memref<40x128xf32, #tpu.memory_space<vmem>>
      %dma_start3A_64 = arith.constant 0 : i32
      %dma_start3A_65 = tpu.memref_slice %arg6[%add3A_57, %dma_start3A_58, %dma_start3A_64] : memref<10x2x40xi32, #tpu.memory_space<vmem>> -> memref<1x1x40xi32, #tpu.memory_space<vmem>>
      %dma_start3A_66 = tpu.memref_squeeze %dma_start3A_65 : memref<1x1x40xi32, #tpu.memory_space<vmem>> -> memref<40xi32, #tpu.memory_space<vmem>>
      %dma_start3A_67 = arith.constant 0 : i32
      %dma_start3A_68 = arith.constant 0 : i32
      %dma_start3A_69 = tpu.memref_slice %arg2[%dma_start3A_67, %dma_start3A_68] : memref<10000x128xf32, #tpu.memory_space<hbm>> -> memref<10000x128xf32, #tpu.memory_space<hbm>>
      tpu.enqueue_indirect_dma source(%dma_start3A_69 : memref<10000x128xf32, #tpu.memory_space<hbm>>) target(%dma_start3A_63 : memref<40x128xf32, #tpu.memory_space<vmem>>) offsets(%dma_start3A_66 : memref<40xi32, #tpu.memory_space<vmem>>) semaphore(%arg11 : memref<!tpu.dma_semaphore, #tpu.memory_space<semaphore_mem>>)
      %add3A_70 = arith.constant 0 : i32
      %add3A_71 = arith.addi %add3A_35, %add3A_70 : i32
      %dma_start3A_72 = arith.constant 0 : i32
      %dma_start3A_73 = arith.constant 0 : i32
      %dma_start3A_74 = arith.constant 0 : i32
      %dma_start3A_75 = tpu.memref_slice %arg8[%dma_start3A_72, %dma_start3A_73, %dma_start3A_74] : memref<2x40x128xf32, #tpu.memory_space<vmem>> -> memref<1x40x128xf32, #tpu.memory_space<vmem>>
      %dma_start3A_76 = tpu.memref_squeeze %dma_start3A_75 : memref<1x40x128xf32, #tpu.memory_space<vmem>> -> memref<40x128xf32, #tpu.memory_space<vmem>>
      %dma_start3A_77 = arith.constant 0 : i32
      %dma_start3A_78 = arith.constant 0 : i32
      %dma_start3A_79 = tpu.memref_slice %arg4[%add3A_71, %dma_start3A_77, %dma_start3A_78] : memref<8000x40x128xf32, #tpu.memory_space<hbm>> -> memref<1x40x128xf32, #tpu.memory_space<hbm>>
      %dma_start3A_80 = tpu.memref_squeeze %dma_start3A_79 : memref<1x40x128xf32, #tpu.memory_space<hbm>> -> memref<40x128xf32, #tpu.memory_space<hbm>>
      %dma_start3A_81 = arith.constant 0 : i32
      %dma_start3A_82 = arith.constant 0 : i32
      %dma_start3A_83 = tpu.memref_slice %arg8[%dma_start3A_72, %dma_start3A_81, %dma_start3A_82] : memref<2x40x128xf32, #tpu.memory_space<vmem>> -> memref<1x40x128xf32, #tpu.memory_space<vmem>>
      %dma_start3A_84 = tpu.memref_squeeze %dma_start3A_83 : memref<1x40x128xf32, #tpu.memory_space<vmem>> -> memref<40x128xf32, #tpu.memory_space<vmem>>
      %dma_start3A_85 = arith.constant 0 : i32
      %dma_start3A_86 = arith.constant 0 : i32
      %dma_start3A_87 = tpu.memref_slice %arg4[%add3A_71, %dma_start3A_85, %dma_start3A_86] : memref<8000x40x128xf32, #tpu.memory_space<hbm>> -> memref<1x40x128xf32, #tpu.memory_space<hbm>>
      %dma_start3A_88 = tpu.memref_squeeze %dma_start3A_87 : memref<1x40x128xf32, #tpu.memory_space<hbm>> -> memref<40x128xf32, #tpu.memory_space<hbm>>
      tpu.enqueue_dma source(%dma_start3A_88 : memref<40x128xf32, #tpu.memory_space<hbm>>) target(%dma_start3A_84 : memref<40x128xf32, #tpu.memory_space<vmem>>) target_semaphore(%arg12 : memref<!tpu.dma_semaphore, #tpu.memory_space<semaphore_mem>>)
      %add3A_89 = arith.constant 1 : i32
      %add3A_90 = arith.addi %add3A_35, %add3A_89 : i32
      %dma_start3A_91 = arith.constant 1 : i32
      %dma_start3A_92 = arith.constant 0 : i32
      %dma_start3A_93 = arith.constant 0 : i32
      %dma_start3A_94 = tpu.memref_slice %arg8[%dma_start3A_91, %dma_start3A_92, %dma_start3A_93] : memref<2x40x128xf32, #tpu.memory_space<vmem>> -> memref<1x40x128xf32, #tpu.memory_space<vmem>>
      %dma_start3A_95 = tpu.memref_squeeze %dma_start3A_94 : memref<1x40x128xf32, #tpu.memory_space<vmem>> -> memref<40x128xf32, #tpu.memory_space<vmem>>
      %dma_start3A_96 = arith.constant 0 : i32
      %dma_start3A_97 = arith.constant 0 : i32
      %dma_start3A_98 = tpu.memref_slice %arg4[%add3A_90, %dma_start3A_96, %dma_start3A_97] : memref<8000x40x128xf32, #tpu.memory_space<hbm>> -> memref<1x40x128xf32, #tpu.memory_space<hbm>>
      %dma_start3A_99 = tpu.memref_squeeze %dma_start3A_98 : memref<1x40x128xf32, #tpu.memory_space<hbm>> -> memref<40x128xf32, #tpu.memory_space<hbm>>
      %dma_start3A_100 = arith.constant 0 : i32
      %dma_start3A_101 = arith.constant 0 : i32
      %dma_start3A_102 = tpu.memref_slice %arg8[%dma_start3A_91, %dma_start3A_100, %dma_start3A_101] : memref<2x40x128xf32, #tpu.memory_space<vmem>> -> memref<1x40x128xf32, #tpu.memory_space<vmem>>
      %dma_start3A_103 = tpu.memref_squeeze %dma_start3A_102 : memref<1x40x128xf32, #tpu.memory_space<vmem>> -> memref<40x128xf32, #tpu.memory_space<vmem>>
      %dma_start3A_104 = arith.constant 0 : i32
      %dma_start3A_105 = arith.constant 0 : i32
      %dma_start3A_106 = tpu.memref_slice %arg4[%add3A_90, %dma_start3A_104, %dma_start3A_105] : memref<8000x40x128xf32, #tpu.memory_space<hbm>> -> memref<1x40x128xf32, #tpu.memory_space<hbm>>
      %dma_start3A_107 = tpu.memref_squeeze %dma_start3A_106 : memref<1x40x128xf32, #tpu.memory_space<hbm>> -> memref<40x128xf32, #tpu.memory_space<hbm>>
      tpu.enqueue_dma source(%dma_start3A_107 : memref<40x128xf32, #tpu.memory_space<hbm>>) target(%dma_start3A_103 : memref<40x128xf32, #tpu.memory_space<vmem>>) target_semaphore(%arg13 : memref<!tpu.dma_semaphore, #tpu.memory_space<semaphore_mem>>)
      %dma_wait3A = arith.constant 0 : i32
      %dma_wait3A_108 = arith.constant 0 : i32
      %dma_wait3A_109 = arith.constant 0 : i32
      %dma_wait3A_110 = arith.constant 0 : i32
      %dma_wait3A_111 = tpu.memref_slice %arg7[%dma_wait3A_108, %dma_wait3A_109, %dma_wait3A_110] : memref<2x40x128xf32, #tpu.memory_space<vmem>> -> memref<1x40x128xf32, #tpu.memory_space<vmem>>
      %dma_wait3A_112 = tpu.memref_squeeze %dma_wait3A_111 : memref<1x40x128xf32, #tpu.memory_space<vmem>> -> memref<40x128xf32, #tpu.memory_space<vmem>>
      %dma_wait3A_113 = arith.constant 0 : i32
      %dma_wait3A_114 = tpu.memref_slice %arg6[%add3A_44, %dma_wait3A, %dma_wait3A_113] : memref<10x2x40xi32, #tpu.memory_space<vmem>> -> memref<1x1x40xi32, #tpu.memory_space<vmem>>
      %dma_wait3A_115 = tpu.memref_squeeze %dma_wait3A_114 : memref<1x1x40xi32, #tpu.memory_space<vmem>> -> memref<40xi32, #tpu.memory_space<vmem>>
      %dma_wait3A_116 = arith.constant 0 : i32
      %dma_wait3A_117 = arith.constant 0 : i32
      %dma_wait3A_118 = tpu.memref_slice %arg2[%dma_wait3A_116, %dma_wait3A_117] : memref<10000x128xf32, #tpu.memory_space<hbm>> -> memref<10000x128xf32, #tpu.memory_space<hbm>>
      tpu.wait_indirect_dma semaphore(%arg10 : memref<!tpu.dma_semaphore, #tpu.memory_space<semaphore_mem>>) src(%dma_wait3A_118 : memref<10000x128xf32, #tpu.memory_space<hbm>>) dst(%dma_wait3A_112 : memref<40x128xf32, #tpu.memory_space<vmem>>)
      %dma_wait3A_119 = arith.constant 0 : i32
      %dma_wait3A_120 = arith.constant 0 : i32
      %dma_wait3A_121 = arith.constant 0 : i32
      %dma_wait3A_122 = tpu.memref_slice %arg8[%dma_wait3A_119, %dma_wait3A_120, %dma_wait3A_121] : memref<2x40x128xf32, #tpu.memory_space<vmem>> -> memref<1x40x128xf32, #tpu.memory_space<vmem>>
      %dma_wait3A_123 = tpu.memref_squeeze %dma_wait3A_122 : memref<1x40x128xf32, #tpu.memory_space<vmem>> -> memref<40x128xf32, #tpu.memory_space<vmem>>
      %dma_wait3A_124 = arith.constant 0 : i32
      %dma_wait3A_125 = arith.constant 0 : i32
      %dma_wait3A_126 = tpu.memref_slice %arg4[%add3A_71, %dma_wait3A_124, %dma_wait3A_125] : memref<8000x40x128xf32, #tpu.memory_space<hbm>> -> memref<1x40x128xf32, #tpu.memory_space<hbm>>
      %dma_wait3A_127 = tpu.memref_squeeze %dma_wait3A_126 : memref<1x40x128xf32, #tpu.memory_space<hbm>> -> memref<40x128xf32, #tpu.memory_space<hbm>>
      %dma_wait3A_128 = arith.constant 0 : i32
      %dma_wait3A_129 = arith.constant 0 : i32
      %dma_wait3A_130 = tpu.memref_slice %arg8[%dma_wait3A_119, %dma_wait3A_128, %dma_wait3A_129] : memref<2x40x128xf32, #tpu.memory_space<vmem>> -> memref<1x40x128xf32, #tpu.memory_space<vmem>>
      %dma_wait3A_131 = tpu.memref_squeeze %dma_wait3A_130 : memref<1x40x128xf32, #tpu.memory_space<vmem>> -> memref<40x128xf32, #tpu.memory_space<vmem>>
      %dma_wait3A_132 = arith.constant 0 : i32
      %dma_wait3A_133 = arith.constant 0 : i32
      %dma_wait3A_134 = tpu.memref_slice %arg4[%add3A_71, %dma_wait3A_132, %dma_wait3A_133] : memref<8000x40x128xf32, #tpu.memory_space<hbm>> -> memref<1x40x128xf32, #tpu.memory_space<hbm>>
      %dma_wait3A_135 = tpu.memref_squeeze %dma_wait3A_134 : memref<1x40x128xf32, #tpu.memory_space<hbm>> -> memref<40x128xf32, #tpu.memory_space<hbm>>
      tpu.wait_dma2 semaphore(%arg12 : memref<!tpu.dma_semaphore, #tpu.memory_space<semaphore_mem>>) src(%dma_wait3A_135 : memref<40x128xf32, #tpu.memory_space<hbm>>) dst(%dma_wait3A_131 : memref<40x128xf32, #tpu.memory_space<vmem>>)
      %scan3A_136 = arith.constant 0 : i32
      %scan3A_137 = arith.constant 0 : i32
      %scan3A_138 = arith.constant 40 : i32
      %scan3A_139 = arith.addi %scan3A_137, %scan3A_138 : i32
      %scan3A_140 = arith.constant 1 : i32
      %scan3A_141 = scf.for %scan3A_232 = %scan3A_137 to %scan3A_139 step %scan3A_140 iter_args(%scan3A_233 = %scan3A_136) -> (i32)  : i32 {
        %get3A = arith.constant 0 : i32
        %get3A_234 = arith.index_cast %get3A : i32 to index
        %get3A_235 = arith.index_cast %scan3A_232 : i32 to index
        %get3A_236 = arith.constant 0 : index
        %get3A_237 = tpu.vector_load %arg7[%get3A_234, %get3A_235, %get3A_236] {strides = array<i32>} : memref<2x40x128xf32, #tpu.memory_space<vmem>>, vector<1x1x16xf32>,
        %get3A_238 = vector.shape_cast %get3A_237 : vector<1x1x16xf32> to vector<16xf32>
        %get3A_239 = arith.constant 0 : i32
        %get3A_240 = arith.index_cast %get3A_239 : i32 to index
        %get3A_241 = arith.index_cast %scan3A_232 : i32 to index
        %get3A_242 = arith.constant 0 : index
        %get3A_243 = tpu.vector_load %arg8[%get3A_240, %get3A_241, %get3A_242] {strides = array<i32>} : memref<2x40x128xf32, #tpu.memory_space<vmem>>, vector<1x1x16xf32>,
        %get3A_244 = vector.shape_cast %get3A_243 : vector<1x1x16xf32> to vector<16xf32>
        %add3A_245 = arith.addf %get3A_238, %get3A_244 : vector<16xf32>
        %max3A = arith.constant 0.000000e+00 : f32
        %max3A_246 = vector.broadcast %max3A : f32 to vector<16xf32>
        %max3A_247 = arith.maximumf %add3A_245, %max3A_246 : vector<16xf32>
        %swap3A = arith.constant 0 : i32
        %swap3A_248 = arith.index_cast %swap3A : i32 to index
        %swap3A_249 = arith.index_cast %scan3A_232 : i32 to index
        %swap3A_250 = arith.constant 0 : index
        %swap3A_251 = tpu.vector_load %arg8[%swap3A_248, %swap3A_249, %swap3A_250] {strides = array<i32>} : memref<2x40x128xf32, #tpu.memory_space<vmem>>, vector<1x1x16xf32>,
        %swap3A_252 = vector.shape_cast %swap3A_251 : vector<1x1x16xf32> to vector<16xf32>
        %swap3A_253 = vector.shape_cast %max3A_247 : vector<16xf32> to vector<1x1x16xf32>
        tpu.vector_store %arg8[%swap3A_248, %swap3A_249, %swap3A_250], %swap3A_253 {strides = array<i32>} : memref<2x40x128xf32, #tpu.memory_space<vmem>>, vector<1x1x16xf32>,
        %get3A_254 = arith.constant 0 : i32
        %get3A_255 = arith.index_cast %get3A_254 : i32 to index
        %get3A_256 = arith.index_cast %scan3A_232 : i32 to index
        %get3A_257 = arith.constant 16 : index
        %get3A_258 = tpu.vector_load %arg7[%get3A_255, %get3A_256, %get3A_257] {strides = array<i32>} : memref<2x40x128xf32, #tpu.memory_space<vmem>>, vector<1x1x16xf32>,
        %get3A_259 = vector.shape_cast %get3A_258 : vector<1x1x16xf32> to vector<16xf32>
        %get3A_260 = arith.constant 0 : i32
        %get3A_261 = arith.index_cast %get3A_260 : i32 to index
        %get3A_262 = arith.index_cast %scan3A_232 : i32 to index
        %get3A_263 = arith.constant 16 : index
        %get3A_264 = tpu.vector_load %arg8[%get3A_261, %get3A_262, %get3A_263] {strides = array<i32>} : memref<2x40x128xf32, #tpu.memory_space<vmem>>, vector<1x1x16xf32>,
        %get3A_265 = vector.shape_cast %get3A_264 : vector<1x1x16xf32> to vector<16xf32>
        %add3A_266 = arith.addf %get3A_259, %get3A_265 : vector<16xf32>
        %max3A_267 = arith.constant 0.000000e+00 : f32
        %max3A_268 = vector.broadcast %max3A_267 : f32 to vector<16xf32>
        %max3A_269 = arith.maximumf %add3A_266, %max3A_268 : vector<16xf32>
        %swap3A_270 = arith.constant 0 : i32
        %swap3A_271 = arith.index_cast %swap3A_270 : i32 to index
        %swap3A_272 = arith.index_cast %scan3A_232 : i32 to index
        %swap3A_273 = arith.constant 16 : index
        %swap3A_274 = tpu.vector_load %arg8[%swap3A_271, %swap3A_272, %swap3A_273] {strides = array<i32>} : memref<2x40x128xf32, #tpu.memory_space<vmem>>, vector<1x1x16xf32>,
        %swap3A_275 = vector.shape_cast %swap3A_274 : vector<1x1x16xf32> to vector<16xf32>
        %swap3A_276 = vector.shape_cast %max3A_269 : vector<16xf32> to vector<1x1x16xf32>
        tpu.vector_store %arg8[%swap3A_271, %swap3A_272, %swap3A_273], %swap3A_276 {strides = array<i32>} : memref<2x40x128xf32, #tpu.memory_space<vmem>>, vector<1x1x16xf32>,
        %get3A_277 = arith.constant 0 : i32
        %get3A_278 = arith.index_cast %get3A_277 : i32 to index
        %get3A_279 = arith.index_cast %scan3A_232 : i32 to index
        %get3A_280 = arith.constant 32 : index
        %get3A_281 = tpu.vector_load %arg7[%get3A_278, %get3A_279, %get3A_280] {strides = array<i32>} : memref<2x40x128xf32, #tpu.memory_space<vmem>>, vector<1x1x16xf32>,
        %get3A_282 = vector.shape_cast %get3A_281 : vector<1x1x16xf32> to vector<16xf32>
        %get3A_283 = arith.constant 0 : i32
        %get3A_284 = arith.index_cast %get3A_283 : i32 to index
        %get3A_285 = arith.index_cast %scan3A_232 : i32 to index
        %get3A_286 = arith.constant 32 : index
        %get3A_287 = tpu.vector_load %arg8[%get3A_284, %get3A_285, %get3A_286] {strides = array<i32>} : memref<2x40x128xf32, #tpu.memory_space<vmem>>, vector<1x1x16xf32>,
        %get3A_288 = vector.shape_cast %get3A_287 : vector<1x1x16xf32> to vector<16xf32>
        %add3A_289 = arith.addf %get3A_282, %get3A_288 : vector<16xf32>
        %max3A_290 = arith.constant 0.000000e+00 : f32
        %max3A_291 = vector.broadcast %max3A_290 : f32 to vector<16xf32>
        %max3A_292 = arith.maximumf %add3A_289, %max3A_291 : vector<16xf32>
        %swap3A_293 = arith.constant 0 : i32
        %swap3A_294 = arith.index_cast %swap3A_293 : i32 to index
        %swap3A_295 = arith.index_cast %scan3A_232 : i32 to index
        %swap3A_296 = arith.constant 32 : index
        %swap3A_297 = tpu.vector_load %arg8[%swap3A_294, %swap3A_295, %swap3A_296] {strides = array<i32>} : memref<2x40x128xf32, #tpu.memory_space<vmem>>, vector<1x1x16xf32>,
        %swap3A_298 = vector.shape_cast %swap3A_297 : vector<1x1x16xf32> to vector<16xf32>
        %swap3A_299 = vector.shape_cast %max3A_292 : vector<16xf32> to vector<1x1x16xf32>
        tpu.vector_store %arg8[%swap3A_294, %swap3A_295, %swap3A_296], %swap3A_299 {strides = array<i32>} : memref<2x40x128xf32, #tpu.memory_space<vmem>>, vector<1x1x16xf32>,
        %get3A_300 = arith.constant 0 : i32
        %get3A_301 = arith.index_cast %get3A_300 : i32 to index
        %get3A_302 = arith.index_cast %scan3A_232 : i32 to index
        %get3A_303 = arith.constant 48 : index
        %get3A_304 = tpu.vector_load %arg7[%get3A_301, %get3A_302, %get3A_303] {strides = array<i32>} : memref<2x40x128xf32, #tpu.memory_space<vmem>>, vector<1x1x16xf32>,
        %get3A_305 = vector.shape_cast %get3A_304 : vector<1x1x16xf32> to vector<16xf32>
        %get3A_306 = arith.constant 0 : i32
        %get3A_307 = arith.index_cast %get3A_306 : i32 to index
        %get3A_308 = arith.index_cast %scan3A_232 : i32 to index
        %get3A_309 = arith.constant 48 : index
        %get3A_310 = tpu.vector_load %arg8[%get3A_307, %get3A_308, %get3A_309] {strides = array<i32>} : memref<2x40x128xf32, #tpu.memory_space<vmem>>, vector<1x1x16xf32>,
        %get3A_311 = vector.shape_cast %get3A_310 : vector<1x1x16xf32> to vector<16xf32>
        %add3A_312 = arith.addf %get3A_305, %get3A_311 : vector<16xf32>
        %max3A_313 = arith.constant 0.000000e+00 : f32
        %max3A_314 = vector.broadcast %max3A_313 : f32 to vector<16xf32>
        %max3A_315 = arith.maximumf %add3A_312, %max3A_314 : vector<16xf32>
        %swap3A_316 = arith.constant 0 : i32
        %swap3A_317 = arith.index_cast %swap3A_316 : i32 to index
        %swap3A_318 = arith.index_cast %scan3A_232 : i32 to index
        %swap3A_319 = arith.constant 48 : index
        %swap3A_320 = tpu.vector_load %arg8[%swap3A_317, %swap3A_318, %swap3A_319] {strides = array<i32>} : memref<2x40x128xf32, #tpu.memory_space<vmem>>, vector<1x1x16xf32>,
        %swap3A_321 = vector.shape_cast %swap3A_320 : vector<1x1x16xf32> to vector<16xf32>
        %swap3A_322 = vector.shape_cast %max3A_315 : vector<16xf32> to vector<1x1x16xf32>
        tpu.vector_store %arg8[%swap3A_317, %swap3A_318, %swap3A_319], %swap3A_322 {strides = array<i32>} : memref<2x40x128xf32, #tpu.memory_space<vmem>>, vector<1x1x16xf32>,
        %get3A_323 = arith.constant 0 : i32
        %get3A_324 = arith.index_cast %get3A_323 : i32 to index
        %get3A_325 = arith.index_cast %scan3A_232 : i32 to index
        %get3A_326 = arith.constant 64 : index
        %get3A_327 = tpu.vector_load %arg7[%get3A_324, %get3A_325, %get3A_326] {strides = array<i32>} : memref<2x40x128xf32, #tpu.memory_space<vmem>>, vector<1x1x16xf32>,
        %get3A_328 = vector.shape_cast %get3A_327 : vector<1x1x16xf32> to vector<16xf32>
        %get3A_329 = arith.constant 0 : i32
        %get3A_330 = arith.index_cast %get3A_329 : i32 to index
        %get3A_331 = arith.index_cast %scan3A_232 : i32 to index
        %get3A_332 = arith.constant 64 : index
        %get3A_333 = tpu.vector_load %arg8[%get3A_330, %get3A_331, %get3A_332] {strides = array<i32>} : memref<2x40x128xf32, #tpu.memory_space<vmem>>, vector<1x1x16xf32>,
        %get3A_334 = vector.shape_cast %get3A_333 : vector<1x1x16xf32> to vector<16xf32>
        %add3A_335 = arith.addf %get3A_328, %get3A_334 : vector<16xf32>
        %max3A_336 = arith.constant 0.000000e+00 : f32
        %max3A_337 = vector.broadcast %max3A_336 : f32 to vector<16xf32>
        %max3A_338 = arith.maximumf %add3A_335, %max3A_337 : vector<16xf32>
        %swap3A_339 = arith.constant 0 : i32
        %swap3A_340 = arith.index_cast %swap3A_339 : i32 to index
        %swap3A_341 = arith.index_cast %scan3A_232 : i32 to index
        %swap3A_342 = arith.constant 64 : index
        %swap3A_343 = tpu.vector_load %arg8[%swap3A_340, %swap3A_341, %swap3A_342] {strides = array<i32>} : memref<2x40x128xf32, #tpu.memory_space<vmem>>, vector<1x1x16xf32>,
        %swap3A_344 = vector.shape_cast %swap3A_343 : vector<1x1x16xf32> to vector<16xf32>
        %swap3A_345 = vector.shape_cast %max3A_338 : vector<16xf32> to vector<1x1x16xf32>
        tpu.vector_store %arg8[%swap3A_340, %swap3A_341, %swap3A_342], %swap3A_345 {strides = array<i32>} : memref<2x40x128xf32, #tpu.memory_space<vmem>>, vector<1x1x16xf32>,
        %get3A_346 = arith.constant 0 : i32
        %get3A_347 = arith.index_cast %get3A_346 : i32 to index
        %get3A_348 = arith.index_cast %scan3A_232 : i32 to index
        %get3A_349 = arith.constant 80 : index
        %get3A_350 = tpu.vector_load %arg7[%get3A_347, %get3A_348, %get3A_349] {strides = array<i32>} : memref<2x40x128xf32, #tpu.memory_space<vmem>>, vector<1x1x16xf32>,
        %get3A_351 = vector.shape_cast %get3A_350 : vector<1x1x16xf32> to vector<16xf32>
        %get3A_352 = arith.constant 0 : i32
        %get3A_353 = arith.index_cast %get3A_352 : i32 to index
        %get3A_354 = arith.index_cast %scan3A_232 : i32 to index
        %get3A_355 = arith.constant 80 : index
        %get3A_356 = tpu.vector_load %arg8[%get3A_353, %get3A_354, %get3A_355] {strides = array<i32>} : memref<2x40x128xf32, #tpu.memory_space<vmem>>, vector<1x1x16xf32>,
        %get3A_357 = vector.shape_cast %get3A_356 : vector<1x1x16xf32> to vector<16xf32>
        %add3A_358 = arith.addf %get3A_351, %get3A_357 : vector<16xf32>
        %max3A_359 = arith.constant 0.000000e+00 : f32
        %max3A_360 = vector.broadcast %max3A_359 : f32 to vector<16xf32>
        %max3A_361 = arith.maximumf %add3A_358, %max3A_360 : vector<16xf32>
        %swap3A_362 = arith.constant 0 : i32
        %swap3A_363 = arith.index_cast %swap3A_362 : i32 to index
        %swap3A_364 = arith.index_cast %scan3A_232 : i32 to index
        %swap3A_365 = arith.constant 80 : index
        %swap3A_366 = tpu.vector_load %arg8[%swap3A_363, %swap3A_364, %swap3A_365] {strides = array<i32>} : memref<2x40x128xf32, #tpu.memory_space<vmem>>, vector<1x1x16xf32>,
        %swap3A_367 = vector.shape_cast %swap3A_366 : vector<1x1x16xf32> to vector<16xf32>
        %swap3A_368 = vector.shape_cast %max3A_361 : vector<16xf32> to vector<1x1x16xf32>
        tpu.vector_store %arg8[%swap3A_363, %swap3A_364, %swap3A_365], %swap3A_368 {strides = array<i32>} : memref<2x40x128xf32, #tpu.memory_space<vmem>>, vector<1x1x16xf32>,
        %get3A_369 = arith.constant 0 : i32
        %get3A_370 = arith.index_cast %get3A_369 : i32 to index
        %get3A_371 = arith.index_cast %scan3A_232 : i32 to index
        %get3A_372 = arith.constant 96 : index
        %get3A_373 = tpu.vector_load %arg7[%get3A_370, %get3A_371, %get3A_372] {strides = array<i32>} : memref<2x40x128xf32, #tpu.memory_space<vmem>>, vector<1x1x16xf32>,
        %get3A_374 = vector.shape_cast %get3A_373 : vector<1x1x16xf32> to vector<16xf32>
        %get3A_375 = arith.constant 0 : i32
        %get3A_376 = arith.index_cast %get3A_375 : i32 to index
        %get3A_377 = arith.index_cast %scan3A_232 : i32 to index
        %get3A_378 = arith.constant 96 : index
        %get3A_379 = tpu.vector_load %arg8[%get3A_376, %get3A_377, %get3A_378] {strides = array<i32>} : memref<2x40x128xf32, #tpu.memory_space<vmem>>, vector<1x1x16xf32>,
        %get3A_380 = vector.shape_cast %get3A_379 : vector<1x1x16xf32> to vector<16xf32>
        %add3A_381 = arith.addf %get3A_374, %get3A_380 : vector<16xf32>
        %max3A_382 = arith.constant 0.000000e+00 : f32
        %max3A_383 = vector.broadcast %max3A_382 : f32 to vector<16xf32>
        %max3A_384 = arith.maximumf %add3A_381, %max3A_383 : vector<16xf32>
        %swap3A_385 = arith.constant 0 : i32
        %swap3A_386 = arith.index_cast %swap3A_385 : i32 to index
        %swap3A_387 = arith.index_cast %scan3A_232 : i32 to index
        %swap3A_388 = arith.constant 96 : index
        %swap3A_389 = tpu.vector_load %arg8[%swap3A_386, %swap3A_387, %swap3A_388] {strides = array<i32>} : memref<2x40x128xf32, #tpu.memory_space<vmem>>, vector<1x1x16xf32>,
        %swap3A_390 = vector.shape_cast %swap3A_389 : vector<1x1x16xf32> to vector<16xf32>
        %swap3A_391 = vector.shape_cast %max3A_384 : vector<16xf32> to vector<1x1x16xf32>
        tpu.vector_store %arg8[%swap3A_386, %swap3A_387, %swap3A_388], %swap3A_391 {strides = array<i32>} : memref<2x40x128xf32, #tpu.memory_space<vmem>>, vector<1x1x16xf32>,
        %get3A_392 = arith.constant 0 : i32
        %get3A_393 = arith.index_cast %get3A_392 : i32 to index
        %get3A_394 = arith.index_cast %scan3A_232 : i32 to index
        %get3A_395 = arith.constant 112 : index
        %get3A_396 = tpu.vector_load %arg7[%get3A_393, %get3A_394, %get3A_395] {strides = array<i32>} : memref<2x40x128xf32, #tpu.memory_space<vmem>>, vector<1x1x16xf32>,
        %get3A_397 = vector.shape_cast %get3A_396 : vector<1x1x16xf32> to vector<16xf32>
        %get3A_398 = arith.constant 0 : i32
        %get3A_399 = arith.index_cast %get3A_398 : i32 to index
        %get3A_400 = arith.index_cast %scan3A_232 : i32 to index
        %get3A_401 = arith.constant 112 : index
        %get3A_402 = tpu.vector_load %arg8[%get3A_399, %get3A_400, %get3A_401] {strides = array<i32>} : memref<2x40x128xf32, #tpu.memory_space<vmem>>, vector<1x1x16xf32>,
        %get3A_403 = vector.shape_cast %get3A_402 : vector<1x1x16xf32> to vector<16xf32>
        %add3A_404 = arith.addf %get3A_397, %get3A_403 : vector<16xf32>
        %max3A_405 = arith.constant 0.000000e+00 : f32
        %max3A_406 = vector.broadcast %max3A_405 : f32 to vector<16xf32>
        %max3A_407 = arith.maximumf %add3A_404, %max3A_406 : vector<16xf32>
        %swap3A_408 = arith.constant 0 : i32
        %swap3A_409 = arith.index_cast %swap3A_408 : i32 to index
        %swap3A_410 = arith.index_cast %scan3A_232 : i32 to index
        %swap3A_411 = arith.constant 112 : index
        %swap3A_412 = tpu.vector_load %arg8[%swap3A_409, %swap3A_410, %swap3A_411] {strides = array<i32>} : memref<2x40x128xf32, #tpu.memory_space<vmem>>, vector<1x1x16xf32>,
        %swap3A_413 = vector.shape_cast %swap3A_412 : vector<1x1x16xf32> to vector<16xf32>
        %swap3A_414 = vector.shape_cast %max3A_407 : vector<16xf32> to vector<1x1x16xf32>
        tpu.vector_store %arg8[%swap3A_409, %swap3A_410, %swap3A_411], %swap3A_414 {strides = array<i32>} : memref<2x40x128xf32, #tpu.memory_space<vmem>>, vector<1x1x16xf32>,
        %scan3A_415 = arith.constant 0 : i32
        scf.yield %scan3A_415 : i32
      }
      %scan3A_142 = arith.constant 40 : i32
      %add3A_143 = arith.constant 0 : i32
      %add3A_144 = arith.addi %mul3A_38, %add3A_143 : i32
      %dma_start3A_145 = arith.constant 0 : i32
      %dma_start3A_146 = arith.constant 1 : i32
      %dma_start3A_147 = arith.constant 0 : i32
      %dma_start3A_148 = arith.constant 0 : i32
      %dma_start3A_149 = tpu.memref_slice %arg8[%dma_start3A_145, %dma_start3A_147, %dma_start3A_148] : memref<2x40x128xf32, #tpu.memory_space<vmem>> -> memref<1x40x128xf32, #tpu.memory_space<vmem>>
      %dma_start3A_150 = tpu.memref_squeeze %dma_start3A_149 : memref<1x40x128xf32, #tpu.memory_space<vmem>> -> memref<40x128xf32, #tpu.memory_space<vmem>>
      %dma_start3A_151 = arith.constant 0 : i32
      %dma_start3A_152 = tpu.memref_slice %arg6[%add3A_144, %dma_start3A_146, %dma_start3A_151] : memref<10x2x40xi32, #tpu.memory_space<vmem>> -> memref<1x1x40xi32, #tpu.memory_space<vmem>>
      %dma_start3A_153 = tpu.memref_squeeze %dma_start3A_152 : memref<1x1x40xi32, #tpu.memory_space<vmem>> -> memref<40xi32, #tpu.memory_space<vmem>>
      %dma_start3A_154 = arith.constant 0 : i32
      %dma_start3A_155 = arith.constant 0 : i32
      %dma_start3A_156 = tpu.memref_slice %arg9[%dma_start3A_154, %dma_start3A_155] : memref<10000x128xf32, #tpu.memory_space<vmem_shared>> -> memref<10000x128xf32, #tpu.memory_space<vmem_shared>>
      tpu.enqueue_indirect_dma source(%dma_start3A_150 : memref<40x128xf32, #tpu.memory_space<vmem>>) target(%dma_start3A_156 : memref<10000x128xf32, #tpu.memory_space<vmem_shared>>) offsets(%dma_start3A_153 : memref<40xi32, #tpu.memory_space<vmem>>) semaphore(%arg14 : memref<!tpu.dma_semaphore, #tpu.memory_space<semaphore_mem>>) {add = true}
      %dma_wait3A_157 = arith.constant 0 : i32
      %dma_wait3A_158 = arith.constant 1 : i32
      %dma_wait3A_159 = arith.constant 0 : i32
      %dma_wait3A_160 = arith.constant 0 : i32
      %dma_wait3A_161 = tpu.memref_slice %arg7[%dma_wait3A_158, %dma_wait3A_159, %dma_wait3A_160] : memref<2x40x128xf32, #tpu.memory_space<vmem>> -> memref<1x40x128xf32, #tpu.memory_space<vmem>>
      %dma_wait3A_162 = tpu.memref_squeeze %dma_wait3A_161 : memref<1x40x128xf32, #tpu.memory_space<vmem>> -> memref<40x128xf32, #tpu.memory_space<vmem>>
      %dma_wait3A_163 = arith.constant 0 : i32
      %dma_wait3A_164 = tpu.memref_slice %arg6[%add3A_57, %dma_wait3A_157, %dma_wait3A_163] : memref<10x2x40xi32, #tpu.memory_space<vmem>> -> memref<1x1x40xi32, #tpu.memory_space<vmem>>
      %dma_wait3A_165 = tpu.memref_squeeze %dma_wait3A_164 : memref<1x1x40xi32, #tpu.memory_space<vmem>> -> memref<40xi32, #tpu.memory_space<vmem>>
      %dma_wait3A_166 = arith.constant 0 : i32
      %dma_wait3A_167 = arith.constant 0 : i32
      %dma_wait3A_168 = tpu.memref_slice %arg2[%dma_wait3A_166, %dma_wait3A_167] : memref<10000x128xf32, #tpu.memory_space<hbm>> -> memref<10000x128xf32, #tpu.memory_space<hbm>>
      tpu.wait_indirect_dma semaphore(%arg11 : memref<!tpu.dma_semaphore, #tpu.memory_space<semaphore_mem>>) src(%dma_wait3A_168 : memref<10000x128xf32, #tpu.memory_space<hbm>>) dst(%dma_wait3A_162 : memref<40x128xf32, #tpu.memory_space<vmem>>)
      %dma_wait3A_169 = arith.constant 1 : i32
      %dma_wait3A_170 = arith.constant 0 : i32
      %dma_wait3A_171 = arith.constant 0 : i32
      %dma_wait3A_172 = tpu.memref_slice %arg8[%dma_wait3A_169, %dma_wait3A_170, %dma_wait3A_171] : memref<2x40x128xf32, #tpu.memory_space<vmem>> -> memref<1x40x128xf32, #tpu.memory_space<vmem>>
      %dma_wait3A_173 = tpu.memref_squeeze %dma_wait3A_172 : memref<1x40x128xf32, #tpu.memory_space<vmem>> -> memref<40x128xf32, #tpu.memory_space<vmem>>
      %dma_wait3A_174 = arith.constant 0 : i32
      %dma_wait3A_175 = arith.constant 0 : i32
      %dma_wait3A_176 = tpu.memref_slice %arg4[%add3A_90, %dma_wait3A_174, %dma_wait3A_175] : memref<8000x40x128xf32, #tpu.memory_space<hbm>> -> memref<1x40x128xf32, #tpu.memory_space<hbm>>
      %dma_wait3A_177 = tpu.memref_squeeze %dma_wait3A_176 : memref<1x40x128xf32, #tpu.memory_space<hbm>> -> memref<40x128xf32, #tpu.memory_space<hbm>>
      %dma_wait3A_178 = arith.constant 0 : i32
      %dma_wait3A_179 = arith.constant 0 : i32
      %dma_wait3A_180 = tpu.memref_slice %arg8[%dma_wait3A_169, %dma_wait3A_178, %dma_wait3A_179] : memref<2x40x128xf32, #tpu.memory_space<vmem>> -> memref<1x40x128xf32, #tpu.memory_space<vmem>>
      %dma_wait3A_181 = tpu.memref_squeeze %dma_wait3A_180 : memref<1x40x128xf32, #tpu.memory_space<vmem>> -> memref<40x128xf32, #tpu.memory_space<vmem>>
      %dma_wait3A_182 = arith.constant 0 : i32
      %dma_wait3A_183 = arith.constant 0 : i32
      %dma_wait3A_184 = tpu.memref_slice %arg4[%add3A_90, %dma_wait3A_182, %dma_wait3A_183] : memref<8000x40x128xf32, #tpu.memory_space<hbm>> -> memref<1x40x128xf32, #tpu.memory_space<hbm>>
      %dma_wait3A_185 = tpu.memref_squeeze %dma_wait3A_184 : memref<1x40x128xf32, #tpu.memory_space<hbm>> -> memref<40x128xf32, #tpu.memory_space<hbm>>
      tpu.wait_dma2 semaphore(%arg13 : memref<!tpu.dma_semaphore, #tpu.memory_space<semaphore_mem>>) src(%dma_wait3A_185 : memref<40x128xf32, #tpu.memory_space<hbm>>) dst(%dma_wait3A_181 : memref<40x128xf32, #tpu.memory_space<vmem>>)
      %scan3A_186 = arith.constant 0 : i32
      %scan3A_187 = arith.constant 0 : i32
      %scan3A_188 = arith.constant 40 : i32
      %scan3A_189 = arith.addi %scan3A_187, %scan3A_188 : i32
      %scan3A_190 = arith.constant 1 : i32
      %scan3A_191 = scf.for %scan3A_232 = %scan3A_187 to %scan3A_189 step %scan3A_190 iter_args(%scan3A_233 = %scan3A_186) -> (i32)  : i32 {
        %get3A = arith.constant 1 : i32
        %get3A_234 = arith.index_cast %get3A : i32 to index
        %get3A_235 = arith.index_cast %scan3A_232 : i32 to index
        %get3A_236 = arith.constant 0 : index
        %get3A_237 = tpu.vector_load %arg7[%get3A_234, %get3A_235, %get3A_236] {strides = array<i32>} : memref<2x40x128xf32, #tpu.memory_space<vmem>>, vector<1x1x16xf32>,
        %get3A_238 = vector.shape_cast %get3A_237 : vector<1x1x16xf32> to vector<16xf32>
        %get3A_239 = arith.constant 1 : i32
        %get3A_240 = arith.index_cast %get3A_239 : i32 to index
        %get3A_241 = arith.index_cast %scan3A_232 : i32 to index
        %get3A_242 = arith.constant 0 : index
        %get3A_243 = tpu.vector_load %arg8[%get3A_240, %get3A_241, %get3A_242] {strides = array<i32>} : memref<2x40x128xf32, #tpu.memory_space<vmem>>, vector<1x1x16xf32>,
        %get3A_244 = vector.shape_cast %get3A_243 : vector<1x1x16xf32> to vector<16xf32>
        %add3A_245 = arith.addf %get3A_238, %get3A_244 : vector<16xf32>
        %max3A = arith.constant 0.000000e+00 : f32
        %max3A_246 = vector.broadcast %max3A : f32 to vector<16xf32>
        %max3A_247 = arith.maximumf %add3A_245, %max3A_246 : vector<16xf32>
        %swap3A = arith.constant 1 : i32
        %swap3A_248 = arith.index_cast %swap3A : i32 to index
        %swap3A_249 = arith.index_cast %scan3A_232 : i32 to index
        %swap3A_250 = arith.constant 0 : index
        %swap3A_251 = tpu.vector_load %arg8[%swap3A_248, %swap3A_249, %swap3A_250] {strides = array<i32>} : memref<2x40x128xf32, #tpu.memory_space<vmem>>, vector<1x1x16xf32>,
        %swap3A_252 = vector.shape_cast %swap3A_251 : vector<1x1x16xf32> to vector<16xf32>
        %swap3A_253 = vector.shape_cast %max3A_247 : vector<16xf32> to vector<1x1x16xf32>
        tpu.vector_store %arg8[%swap3A_248, %swap3A_249, %swap3A_250], %swap3A_253 {strides = array<i32>} : memref<2x40x128xf32, #tpu.memory_space<vmem>>, vector<1x1x16xf32>,
        %get3A_254 = arith.constant 1 : i32
        %get3A_255 = arith.index_cast %get3A_254 : i32 to index
        %get3A_256 = arith.index_cast %scan3A_232 : i32 to index
        %get3A_257 = arith.constant 16 : index
        %get3A_258 = tpu.vector_load %arg7[%get3A_255, %get3A_256, %get3A_257] {strides = array<i32>} : memref<2x40x128xf32, #tpu.memory_space<vmem>>, vector<1x1x16xf32>,
        %get3A_259 = vector.shape_cast %get3A_258 : vector<1x1x16xf32> to vector<16xf32>
        %get3A_260 = arith.constant 1 : i32
        %get3A_261 = arith.index_cast %get3A_260 : i32 to index
        %get3A_262 = arith.index_cast %scan3A_232 : i32 to index
        %get3A_263 = arith.constant 16 : index
        %get3A_264 = tpu.vector_load %arg8[%get3A_261, %get3A_262, %get3A_263] {strides = array<i32>} : memref<2x40x128xf32, #tpu.memory_space<vmem>>, vector<1x1x16xf32>,
        %get3A_265 = vector.shape_cast %get3A_264 : vector<1x1x16xf32> to vector<16xf32>
        %add3A_266 = arith.addf %get3A_259, %get3A_265 : vector<16xf32>
        %max3A_267 = arith.constant 0.000000e+00 : f32
        %max3A_268 = vector.broadcast %max3A_267 : f32 to vector<16xf32>
        %max3A_269 = arith.maximumf %add3A_266, %max3A_268 : vector<16xf32>
        %swap3A_270 = arith.constant 1 : i32
        %swap3A_271 = arith.index_cast %swap3A_270 : i32 to index
        %swap3A_272 = arith.index_cast %scan3A_232 : i32 to index
        %swap3A_273 = arith.constant 16 : index
        %swap3A_274 = tpu.vector_load %arg8[%swap3A_271, %swap3A_272, %swap3A_273] {strides = array<i32>} : memref<2x40x128xf32, #tpu.memory_space<vmem>>, vector<1x1x16xf32>,
        %swap3A_275 = vector.shape_cast %swap3A_274 : vector<1x1x16xf32> to vector<16xf32>
        %swap3A_276 = vector.shape_cast %max3A_269 : vector<16xf32> to vector<1x1x16xf32>
        tpu.vector_store %arg8[%swap3A_271, %swap3A_272, %swap3A_273], %swap3A_276 {strides = array<i32>} : memref<2x40x128xf32, #tpu.memory_space<vmem>>, vector<1x1x16xf32>,
        %get3A_277 = arith.constant 1 : i32
        %get3A_278 = arith.index_cast %get3A_277 : i32 to index
        %get3A_279 = arith.index_cast %scan3A_232 : i32 to index
        %get3A_280 = arith.constant 32 : index
        %get3A_281 = tpu.vector_load %arg7[%get3A_278, %get3A_279, %get3A_280] {strides = array<i32>} : memref<2x40x128xf32, #tpu.memory_space<vmem>>, vector<1x1x16xf32>,
        %get3A_282 = vector.shape_cast %get3A_281 : vector<1x1x16xf32> to vector<16xf32>
        %get3A_283 = arith.constant 1 : i32
        %get3A_284 = arith.index_cast %get3A_283 : i32 to index
        %get3A_285 = arith.index_cast %scan3A_232 : i32 to index
        %get3A_286 = arith.constant 32 : index
        %get3A_287 = tpu.vector_load %arg8[%get3A_284, %get3A_285, %get3A_286] {strides = array<i32>} : memref<2x40x128xf32, #tpu.memory_space<vmem>>, vector<1x1x16xf32>,
        %get3A_288 = vector.shape_cast %get3A_287 : vector<1x1x16xf32> to vector<16xf32>
        %add3A_289 = arith.addf %get3A_282, %get3A_288 : vector<16xf32>
        %max3A_290 = arith.constant 0.000000e+00 : f32
        %max3A_291 = vector.broadcast %max3A_290 : f32 to vector<16xf32>
        %max3A_292 = arith.maximumf %add3A_289, %max3A_291 : vector<16xf32>
        %swap3A_293 = arith.constant 1 : i32
        %swap3A_294 = arith.index_cast %swap3A_293 : i32 to index
        %swap3A_295 = arith.index_cast %scan3A_232 : i32 to index
        %swap3A_296 = arith.constant 32 : index
        %swap3A_297 = tpu.vector_load %arg8[%swap3A_294, %swap3A_295, %swap3A_296] {strides = array<i32>} : memref<2x40x128xf32, #tpu.memory_space<vmem>>, vector<1x1x16xf32>,
        %swap3A_298 = vector.shape_cast %swap3A_297 : vector<1x1x16xf32> to vector<16xf32>
        %swap3A_299 = vector.shape_cast %max3A_292 : vector<16xf32> to vector<1x1x16xf32>
        tpu.vector_store %arg8[%swap3A_294, %swap3A_295, %swap3A_296], %swap3A_299 {strides = array<i32>} : memref<2x40x128xf32, #tpu.memory_space<vmem>>, vector<1x1x16xf32>,
        %get3A_300 = arith.constant 1 : i32
        %get3A_301 = arith.index_cast %get3A_300 : i32 to index
        %get3A_302 = arith.index_cast %scan3A_232 : i32 to index
        %get3A_303 = arith.constant 48 : index
        %get3A_304 = tpu.vector_load %arg7[%get3A_301, %get3A_302, %get3A_303] {strides = array<i32>} : memref<2x40x128xf32, #tpu.memory_space<vmem>>, vector<1x1x16xf32>,
        %get3A_305 = vector.shape_cast %get3A_304 : vector<1x1x16xf32> to vector<16xf32>
        %get3A_306 = arith.constant 1 : i32
        %get3A_307 = arith.index_cast %get3A_306 : i32 to index
        %get3A_308 = arith.index_cast %scan3A_232 : i32 to index
        %get3A_309 = arith.constant 48 : index
        %get3A_310 = tpu.vector_load %arg8[%get3A_307, %get3A_308, %get3A_309] {strides = array<i32>} : memref<2x40x128xf32, #tpu.memory_space<vmem>>, vector<1x1x16xf32>,
        %get3A_311 = vector.shape_cast %get3A_310 : vector<1x1x16xf32> to vector<16xf32>
        %add3A_312 = arith.addf %get3A_305, %get3A_311 : vector<16xf32>
        %max3A_313 = arith.constant 0.000000e+00 : f32
        %max3A_314 = vector.broadcast %max3A_313 : f32 to vector<16xf32>
        %max3A_315 = arith.maximumf %add3A_312, %max3A_314 : vector<16xf32>
        %swap3A_316 = arith.constant 1 : i32
        %swap3A_317 = arith.index_cast %swap3A_316 : i32 to index
        %swap3A_318 = arith.index_cast %scan3A_232 : i32 to index
        %swap3A_319 = arith.constant 48 : index
        %swap3A_320 = tpu.vector_load %arg8[%swap3A_317, %swap3A_318, %swap3A_319] {strides = array<i32>} : memref<2x40x128xf32, #tpu.memory_space<vmem>>, vector<1x1x16xf32>,
        %swap3A_321 = vector.shape_cast %swap3A_320 : vector<1x1x16xf32> to vector<16xf32>
        %swap3A_322 = vector.shape_cast %max3A_315 : vector<16xf32> to vector<1x1x16xf32>
        tpu.vector_store %arg8[%swap3A_317, %swap3A_318, %swap3A_319], %swap3A_322 {strides = array<i32>} : memref<2x40x128xf32, #tpu.memory_space<vmem>>, vector<1x1x16xf32>,
        %get3A_323 = arith.constant 1 : i32
        %get3A_324 = arith.index_cast %get3A_323 : i32 to index
        %get3A_325 = arith.index_cast %scan3A_232 : i32 to index
        %get3A_326 = arith.constant 64 : index
        %get3A_327 = tpu.vector_load %arg7[%get3A_324, %get3A_325, %get3A_326] {strides = array<i32>} : memref<2x40x128xf32, #tpu.memory_space<vmem>>, vector<1x1x16xf32>,
        %get3A_328 = vector.shape_cast %get3A_327 : vector<1x1x16xf32> to vector<16xf32>
        %get3A_329 = arith.constant 1 : i32
        %get3A_330 = arith.index_cast %get3A_329 : i32 to index
        %get3A_331 = arith.index_cast %scan3A_232 : i32 to index
        %get3A_332 = arith.constant 64 : index
        %get3A_333 = tpu.vector_load %arg8[%get3A_330, %get3A_331, %get3A_332] {strides = array<i32>} : memref<2x40x128xf32, #tpu.memory_space<vmem>>, vector<1x1x16xf32>,
        %get3A_334 = vector.shape_cast %get3A_333 : vector<1x1x16xf32> to vector<16xf32>
        %add3A_335 = arith.addf %get3A_328, %get3A_334 : vector<16xf32>
        %max3A_336 = arith.constant 0.000000e+00 : f32
        %max3A_337 = vector.broadcast %max3A_336 : f32 to vector<16xf32>
        %max3A_338 = arith.maximumf %add3A_335, %max3A_337 : vector<16xf32>
        %swap3A_339 = arith.constant 1 : i32
        %swap3A_340 = arith.index_cast %swap3A_339 : i32 to index
        %swap3A_341 = arith.index_cast %scan3A_232 : i32 to index
        %swap3A_342 = arith.constant 64 : index
        %swap3A_343 = tpu.vector_load %arg8[%swap3A_340, %swap3A_341, %swap3A_342] {strides = array<i32>} : memref<2x40x128xf32, #tpu.memory_space<vmem>>, vector<1x1x16xf32>,
        %swap3A_344 = vector.shape_cast %swap3A_343 : vector<1x1x16xf32> to vector<16xf32>
        %swap3A_345 = vector.shape_cast %max3A_338 : vector<16xf32> to vector<1x1x16xf32>
        tpu.vector_store %arg8[%swap3A_340, %swap3A_341, %swap3A_342], %swap3A_345 {strides = array<i32>} : memref<2x40x128xf32, #tpu.memory_space<vmem>>, vector<1x1x16xf32>,
        %get3A_346 = arith.constant 1 : i32
        %get3A_347 = arith.index_cast %get3A_346 : i32 to index
        %get3A_348 = arith.index_cast %scan3A_232 : i32 to index
        %get3A_349 = arith.constant 80 : index
        %get3A_350 = tpu.vector_load %arg7[%get3A_347, %get3A_348, %get3A_349] {strides = array<i32>} : memref<2x40x128xf32, #tpu.memory_space<vmem>>, vector<1x1x16xf32>,
        %get3A_351 = vector.shape_cast %get3A_350 : vector<1x1x16xf32> to vector<16xf32>
        %get3A_352 = arith.constant 1 : i32
        %get3A_353 = arith.index_cast %get3A_352 : i32 to index
        %get3A_354 = arith.index_cast %scan3A_232 : i32 to index
        %get3A_355 = arith.constant 80 : index
        %get3A_356 = tpu.vector_load %arg8[%get3A_353, %get3A_354, %get3A_355] {strides = array<i32>} : memref<2x40x128xf32, #tpu.memory_space<vmem>>, vector<1x1x16xf32>,
        %get3A_357 = vector.shape_cast %get3A_356 : vector<1x1x16xf32> to vector<16xf32>
        %add3A_358 = arith.addf %get3A_351, %get3A_357 : vector<16xf32>
        %max3A_359 = arith.constant 0.000000e+00 : f32
        %max3A_360 = vector.broadcast %max3A_359 : f32 to vector<16xf32>
        %max3A_361 = arith.maximumf %add3A_358, %max3A_360 : vector<16xf32>
        %swap3A_362 = arith.constant 1 : i32
        %swap3A_363 = arith.index_cast %swap3A_362 : i32 to index
        %swap3A_364 = arith.index_cast %scan3A_232 : i32 to index
        %swap3A_365 = arith.constant 80 : index
        %swap3A_366 = tpu.vector_load %arg8[%swap3A_363, %swap3A_364, %swap3A_365] {strides = array<i32>} : memref<2x40x128xf32, #tpu.memory_space<vmem>>, vector<1x1x16xf32>,
        %swap3A_367 = vector.shape_cast %swap3A_366 : vector<1x1x16xf32> to vector<16xf32>
        %swap3A_368 = vector.shape_cast %max3A_361 : vector<16xf32> to vector<1x1x16xf32>
        tpu.vector_store %arg8[%swap3A_363, %swap3A_364, %swap3A_365], %swap3A_368 {strides = array<i32>} : memref<2x40x128xf32, #tpu.memory_space<vmem>>, vector<1x1x16xf32>,
        %get3A_369 = arith.constant 1 : i32
        %get3A_370 = arith.index_cast %get3A_369 : i32 to index
        %get3A_371 = arith.index_cast %scan3A_232 : i32 to index
        %get3A_372 = arith.constant 96 : index
        %get3A_373 = tpu.vector_load %arg7[%get3A_370, %get3A_371, %get3A_372] {strides = array<i32>} : memref<2x40x128xf32, #tpu.memory_space<vmem>>, vector<1x1x16xf32>,
        %get3A_374 = vector.shape_cast %get3A_373 : vector<1x1x16xf32> to vector<16xf32>
        %get3A_375 = arith.constant 1 : i32
        %get3A_376 = arith.index_cast %get3A_375 : i32 to index
        %get3A_377 = arith.index_cast %scan3A_232 : i32 to index
        %get3A_378 = arith.constant 96 : index
        %get3A_379 = tpu.vector_load %arg8[%get3A_376, %get3A_377, %get3A_378] {strides = array<i32>} : memref<2x40x128xf32, #tpu.memory_space<vmem>>, vector<1x1x16xf32>,
        %get3A_380 = vector.shape_cast %get3A_379 : vector<1x1x16xf32> to vector<16xf32>
        %add3A_381 = arith.addf %get3A_374, %get3A_380 : vector<16xf32>
        %max3A_382 = arith.constant 0.000000e+00 : f32
        %max3A_383 = vector.broadcast %max3A_382 : f32 to vector<16xf32>
        %max3A_384 = arith.maximumf %add3A_381, %max3A_383 : vector<16xf32>
        %swap3A_385 = arith.constant 1 : i32
        %swap3A_386 = arith.index_cast %swap3A_385 : i32 to index
        %swap3A_387 = arith.index_cast %scan3A_232 : i32 to index
        %swap3A_388 = arith.constant 96 : index
        %swap3A_389 = tpu.vector_load %arg8[%swap3A_386, %swap3A_387, %swap3A_388] {strides = array<i32>} : memref<2x40x128xf32, #tpu.memory_space<vmem>>, vector<1x1x16xf32>,
        %swap3A_390 = vector.shape_cast %swap3A_389 : vector<1x1x16xf32> to vector<16xf32>
        %swap3A_391 = vector.shape_cast %max3A_384 : vector<16xf32> to vector<1x1x16xf32>
        tpu.vector_store %arg8[%swap3A_386, %swap3A_387, %swap3A_388], %swap3A_391 {strides = array<i32>} : memref<2x40x128xf32, #tpu.memory_space<vmem>>, vector<1x1x16xf32>,
        %get3A_392 = arith.constant 1 : i32
        %get3A_393 = arith.index_cast %get3A_392 : i32 to index
        %get3A_394 = arith.index_cast %scan3A_232 : i32 to index
        %get3A_395 = arith.constant 112 : index
        %get3A_396 = tpu.vector_load %arg7[%get3A_393, %get3A_394, %get3A_395] {strides = array<i32>} : memref<2x40x128xf32, #tpu.memory_space<vmem>>, vector<1x1x16xf32>,
        %get3A_397 = vector.shape_cast %get3A_396 : vector<1x1x16xf32> to vector<16xf32>
        %get3A_398 = arith.constant 1 : i32
        %get3A_399 = arith.index_cast %get3A_398 : i32 to index
        %get3A_400 = arith.index_cast %scan3A_232 : i32 to index
        %get3A_401 = arith.constant 112 : index
        %get3A_402 = tpu.vector_load %arg8[%get3A_399, %get3A_400, %get3A_401] {strides = array<i32>} : memref<2x40x128xf32, #tpu.memory_space<vmem>>, vector<1x1x16xf32>,
        %get3A_403 = vector.shape_cast %get3A_402 : vector<1x1x16xf32> to vector<16xf32>
        %add3A_404 = arith.addf %get3A_397, %get3A_403 : vector<16xf32>
        %max3A_405 = arith.constant 0.000000e+00 : f32
        %max3A_406 = vector.broadcast %max3A_405 : f32 to vector<16xf32>
        %max3A_407 = arith.maximumf %add3A_404, %max3A_406 : vector<16xf32>
        %swap3A_408 = arith.constant 1 : i32
        %swap3A_409 = arith.index_cast %swap3A_408 : i32 to index
        %swap3A_410 = arith.index_cast %scan3A_232 : i32 to index
        %swap3A_411 = arith.constant 112 : index
        %swap3A_412 = tpu.vector_load %arg8[%swap3A_409, %swap3A_410, %swap3A_411] {strides = array<i32>} : memref<2x40x128xf32, #tpu.memory_space<vmem>>, vector<1x1x16xf32>,
        %swap3A_413 = vector.shape_cast %swap3A_412 : vector<1x1x16xf32> to vector<16xf32>
        %swap3A_414 = vector.shape_cast %max3A_407 : vector<16xf32> to vector<1x1x16xf32>
        tpu.vector_store %arg8[%swap3A_409, %swap3A_410, %swap3A_411], %swap3A_414 {strides = array<i32>} : memref<2x40x128xf32, #tpu.memory_space<vmem>>, vector<1x1x16xf32>,
        %scan3A_415 = arith.constant 0 : i32
        scf.yield %scan3A_415 : i32
      }
      %scan3A_192 = arith.constant 40 : i32
      %add3A_193 = arith.constant 1 : i32
      %add3A_194 = arith.addi %mul3A_38, %add3A_193 : i32
      %dma_start3A_195 = arith.constant 1 : i32
      %dma_start3A_196 = arith.constant 1 : i32
      %dma_start3A_197 = arith.constant 0 : i32
      %dma_start3A_198 = arith.constant 0 : i32
      %dma_start3A_199 = tpu.memref_slice %arg8[%dma_start3A_195, %dma_start3A_197, %dma_start3A_198] : memref<2x40x128xf32, #tpu.memory_space<vmem>> -> memref<1x40x128xf32, #tpu.memory_space<vmem>>
      %dma_start3A_200 = tpu.memref_squeeze %dma_start3A_199 : memref<1x40x128xf32, #tpu.memory_space<vmem>> -> memref<40x128xf32, #tpu.memory_space<vmem>>
      %dma_start3A_201 = arith.constant 0 : i32
      %dma_start3A_202 = tpu.memref_slice %arg6[%add3A_194, %dma_start3A_196, %dma_start3A_201] : memref<10x2x40xi32, #tpu.memory_space<vmem>> -> memref<1x1x40xi32, #tpu.memory_space<vmem>>
      %dma_start3A_203 = tpu.memref_squeeze %dma_start3A_202 : memref<1x1x40xi32, #tpu.memory_space<vmem>> -> memref<40xi32, #tpu.memory_space<vmem>>
      %dma_start3A_204 = arith.constant 0 : i32
      %dma_start3A_205 = arith.constant 0 : i32
      %dma_start3A_206 = tpu.memref_slice %arg9[%dma_start3A_204, %dma_start3A_205] : memref<10000x128xf32, #tpu.memory_space<vmem_shared>> -> memref<10000x128xf32, #tpu.memory_space<vmem_shared>>
      tpu.enqueue_indirect_dma source(%dma_start3A_200 : memref<40x128xf32, #tpu.memory_space<vmem>>) target(%dma_start3A_206 : memref<10000x128xf32, #tpu.memory_space<vmem_shared>>) offsets(%dma_start3A_203 : memref<40xi32, #tpu.memory_space<vmem>>) semaphore(%arg15 : memref<!tpu.dma_semaphore, #tpu.memory_space<semaphore_mem>>) {add = true}
      %dma_wait3A_207 = arith.constant 0 : i32
      %dma_wait3A_208 = arith.constant 1 : i32
      %dma_wait3A_209 = arith.constant 0 : i32
      %dma_wait3A_210 = arith.constant 0 : i32
      %dma_wait3A_211 = tpu.memref_slice %arg8[%dma_wait3A_207, %dma_wait3A_209, %dma_wait3A_210] : memref<2x40x128xf32, #tpu.memory_space<vmem>> -> memref<1x40x128xf32, #tpu.memory_space<vmem>>
      %dma_wait3A_212 = tpu.memref_squeeze %dma_wait3A_211 : memref<1x40x128xf32, #tpu.memory_space<vmem>> -> memref<40x128xf32, #tpu.memory_space<vmem>>
      %dma_wait3A_213 = arith.constant 0 : i32
      %dma_wait3A_214 = tpu.memref_slice %arg6[%add3A_144, %dma_wait3A_208, %dma_wait3A_213] : memref<10x2x40xi32, #tpu.memory_space<vmem>> -> memref<1x1x40xi32, #tpu.memory_space<vmem>>
      %dma_wait3A_215 = tpu.memref_squeeze %dma_wait3A_214 : memref<1x1x40xi32, #tpu.memory_space<vmem>> -> memref<40xi32, #tpu.memory_space<vmem>>
      %dma_wait3A_216 = arith.constant 0 : i32
      %dma_wait3A_217 = arith.constant 0 : i32
      %dma_wait3A_218 = tpu.memref_slice %arg9[%dma_wait3A_216, %dma_wait3A_217] : memref<10000x128xf32, #tpu.memory_space<vmem_shared>> -> memref<10000x128xf32, #tpu.memory_space<vmem_shared>>
      tpu.wait_indirect_dma semaphore(%arg14 : memref<!tpu.dma_semaphore, #tpu.memory_space<semaphore_mem>>) src(%dma_wait3A_212 : memref<40x128xf32, #tpu.memory_space<vmem>>) dst(%dma_wait3A_218 : memref<10000x128xf32, #tpu.memory_space<vmem_shared>>)
      %dma_wait3A_219 = arith.constant 1 : i32
      %dma_wait3A_220 = arith.constant 1 : i32
      %dma_wait3A_221 = arith.constant 0 : i32
      %dma_wait3A_222 = arith.constant 0 : i32
      %dma_wait3A_223 = tpu.memref_slice %arg8[%dma_wait3A_219, %dma_wait3A_221, %dma_wait3A_222] : memref<2x40x128xf32, #tpu.memory_space<vmem>> -> memref<1x40x128xf32, #tpu.memory_space<vmem>>
      %dma_wait3A_224 = tpu.memref_squeeze %dma_wait3A_223 : memref<1x40x128xf32, #tpu.memory_space<vmem>> -> memref<40x128xf32, #tpu.memory_space<vmem>>
      %dma_wait3A_225 = arith.constant 0 : i32
      %dma_wait3A_226 = tpu.memref_slice %arg6[%add3A_194, %dma_wait3A_220, %dma_wait3A_225] : memref<10x2x40xi32, #tpu.memory_space<vmem>> -> memref<1x1x40xi32, #tpu.memory_space<vmem>>
      %dma_wait3A_227 = tpu.memref_squeeze %dma_wait3A_226 : memref<1x1x40xi32, #tpu.memory_space<vmem>> -> memref<40xi32, #tpu.memory_space<vmem>>
      %dma_wait3A_228 = arith.constant 0 : i32
      %dma_wait3A_229 = arith.constant 0 : i32
      %dma_wait3A_230 = tpu.memref_slice %arg9[%dma_wait3A_228, %dma_wait3A_229] : memref<10000x128xf32, #tpu.memory_space<vmem_shared>> -> memref<10000x128xf32, #tpu.memory_space<vmem_shared>>
      tpu.wait_indirect_dma semaphore(%arg15 : memref<!tpu.dma_semaphore, #tpu.memory_space<semaphore_mem>>) src(%dma_wait3A_224 : memref<40x128xf32, #tpu.memory_space<vmem>>) dst(%dma_wait3A_230 : memref<10000x128xf32, #tpu.memory_space<vmem_shared>>)
      %scan3A_231 = arith.constant 0 : i32
      scf.yield %scan3A_231 : i32
    }
    %scan3A_22 = arith.constant 125 : i32
    %barrier3A_23 = arith.constant 0 : index
    tpu.barrier barrier_id(%barrier3A_23)
    %scan3A_24 = arith.constant 0 : i32
    %scan3A_25 = arith.constant 0 : i32
    %scan3A_26 = arith.constant 16 : i32
    %scan3A_27 = arith.addi %scan3A_25, %scan3A_26 : i32
    %scan3A_28 = arith.constant 1 : i32
    %scan3A_29 = scf.for %scan3A_31 = %scan3A_25 to %scan3A_27 step %scan3A_28 iter_args(%scan3A_32 = %scan3A_24) -> (i32)  : i32 {
      %mul3A_33 = arith.constant 16 : i32
      %mul3A_34 = arith.muli %scan3A_31, %mul3A_33 : i32
      %add3A_35 = arith.addi %arg1, %mul3A_34 : i32
      %lt3A = arith.constant 250 : i32
      %lt3A_36 = arith.cmpi slt, %add3A_35, %lt3A : i32
      %convert_element_type3A = arith.extui %lt3A_36 : i1 to i32
      %cond3A = arith.constant 0 : i32
      %cond3A_37 = arith.cmpi ne, %convert_element_type3A, %cond3A : i32
      scf.if %cond3A_37 {
        %mul3A_39 = arith.constant 40 : i32
        %mul3A_40 = arith.muli %add3A_35, %mul3A_39 : i32
        "tpu.region"() ({
          %run_scoped3A = tpu.sem_alloc : memref<!tpu.dma_semaphore, #tpu.memory_space<semaphore_mem>>
          %dma_start3A = arith.constant 0 : i32
          %dma_start3A_41 = arith.constant 0 : i32
          %dma_start3A_42 = tpu.memref_slice %arg5[%arg0, %dma_start3A, %dma_start3A_41] : memref<2x10000x128xf32, #tpu.memory_space<hbm>> -> memref<1x10000x128xf32, #tpu.memory_space<hbm>>
          %dma_start3A_43 = tpu.memref_squeeze %dma_start3A_42 : memref<1x10000x128xf32, #tpu.memory_space<hbm>> -> memref<10000x128xf32, #tpu.memory_space<hbm>>
          %dma_start3A_44 = arith.constant 0 : i32
          %dma_start3A_45 = tpu.memref_slice %dma_start3A_43[%mul3A_40, %dma_start3A_44] : memref<10000x128xf32, #tpu.memory_space<hbm>> -> memref<40x128xf32, #tpu.memory_space<hbm>>
          %dma_start3A_46 = arith.constant 0 : i32
          %dma_start3A_47 = tpu.memref_slice %arg9[%mul3A_40, %dma_start3A_46] : memref<10000x128xf32, #tpu.memory_space<vmem_shared>> -> memref<40x128xf32, #tpu.memory_space<vmem_shared>>
          tpu.enqueue_dma source(%dma_start3A_47 : memref<40x128xf32, #tpu.memory_space<vmem_shared>>) target(%dma_start3A_45 : memref<40x128xf32, #tpu.memory_space<hbm>>) target_semaphore(%run_scoped3A : memref<!tpu.dma_semaphore, #tpu.memory_space<semaphore_mem>>)
          %dma_wait3A = arith.constant 0 : i32
          %dma_wait3A_48 = arith.constant 0 : i32
          %dma_wait3A_49 = tpu.memref_slice %arg5[%arg0, %dma_wait3A, %dma_wait3A_48] : memref<2x10000x128xf32, #tpu.memory_space<hbm>> -> memref<1x10000x128xf32, #tpu.memory_space<hbm>>
          %dma_wait3A_50 = tpu.memref_squeeze %dma_wait3A_49 : memref<1x10000x128xf32, #tpu.memory_space<hbm>> -> memref<10000x128xf32, #tpu.memory_space<hbm>>
          %dma_wait3A_51 = arith.constant 0 : i32
          %dma_wait3A_52 = tpu.memref_slice %dma_wait3A_50[%mul3A_40, %dma_wait3A_51] : memref<10000x128xf32, #tpu.memory_space<hbm>> -> memref<40x128xf32, #tpu.memory_space<hbm>>
          %dma_wait3A_53 = arith.constant 0 : i32
          %dma_wait3A_54 = tpu.memref_slice %arg9[%mul3A_40, %dma_wait3A_53] : memref<10000x128xf32, #tpu.memory_space<vmem_shared>> -> memref<40x128xf32, #tpu.memory_space<vmem_shared>>
          tpu.wait_dma2 semaphore(%run_scoped3A : memref<!tpu.dma_semaphore, #tpu.memory_space<semaphore_mem>>) src(%dma_wait3A_54 : memref<40x128xf32, #tpu.memory_space<vmem_shared>>) dst(%dma_wait3A_52 : memref<40x128xf32, #tpu.memory_space<hbm>>)
          tpu.yield
        }) : () -> ()
      } else {
      }
      %scan3A_38 = arith.constant 0 : i32
      scf.yield %scan3A_38 : i32
    }
    %scan3A_30 = arith.constant 16 : i32
    return
  }
}

module attributes {stable_mosaic.version = 14 : i64} {
  func.func @_mlp_body(%arg0: i32, %arg1: memref<1000x128xf32, #tpu.memory_space<vmem>>, %arg2: memref<1000x128xf32, #tpu.memory_space<vmem>>, %arg3: memref<1000x128xf32, #tpu.memory_space<vmem>>, %arg4: memref<128x256xf32, #tpu.memory_space<vmem>>, %arg5: memref<1x256xf32, #tpu.memory_space<vmem>>, %arg6: memref<256x128xf32, #tpu.memory_space<vmem>>, %arg7: memref<1x128xf32, #tpu.memory_space<vmem>>, %arg8: memref<1000x128xf32, #tpu.memory_space<vmem>>) attributes {dimension_semantics = [#tpu.dimension_semantics<arbitrary>], iteration_bounds = array<i64: 10>, scalar_prefetch = 0 : i64, scratch_operands = 0 : i64, tpu.core_type = #tpu.core_type<tc>, window_params = [{transform_indices = @transform_0, window_bounds = array<i64: 1000, 128>}, {transform_indices = @transform_1, window_bounds = array<i64: 1000, 128>}, {transform_indices = @transform_2, window_bounds = array<i64: 1000, 128>}, {pipeline_mode = #tpu.pipeline_mode<synchronous>, transform_indices = @transform_3, window_bounds = array<i64: 128, 256>}, {pipeline_mode = #tpu.pipeline_mode<synchronous>, transform_indices = @transform_4, window_bounds = array<i64: 1, 256>}, {pipeline_mode = #tpu.pipeline_mode<synchronous>, transform_indices = @transform_5, window_bounds = array<i64: 256, 128>}, {pipeline_mode = #tpu.pipeline_mode<synchronous>, transform_indices = @transform_6, window_bounds = array<i64: 1, 128>}, {transform_indices = @transform_7, window_bounds = array<i64: 1000, 128>}]} {
    %get3A = arith.constant 0 : index
    %get3A_0 = arith.constant 0 : index
    %get3A_1 = vector.load %arg1[%get3A, %get3A_0] : memref<1000x128xf32, #tpu.memory_space<vmem>>, vector<1000x128xf32>
    %get3A_2 = arith.constant 0 : index
    %get3A_3 = arith.constant 0 : index
    %get3A_4 = vector.load %arg2[%get3A_2, %get3A_3] : memref<1000x128xf32, #tpu.memory_space<vmem>>, vector<1000x128xf32>
    %add3A = arith.addf %get3A_1, %get3A_4 : vector<1000x128xf32>
    %get3A_5 = arith.constant 0 : index
    %get3A_6 = arith.constant 0 : index
    %get3A_7 = vector.load %arg3[%get3A_5, %get3A_6] : memref<1000x128xf32, #tpu.memory_space<vmem>>, vector<1000x128xf32>
    %add3A_8 = arith.addf %add3A, %get3A_7 : vector<1000x128xf32>
    %get3A_9 = arith.constant 0 : index
    %get3A_10 = arith.constant 0 : index
    %get3A_11 = vector.load %arg4[%get3A_9, %get3A_10] : memref<128x256xf32, #tpu.memory_space<vmem>>, vector<128x256xf32>
    %dot_general3A = arith.constant dense<0.000000e+00> : vector<1000x256xf32>
    %dot_general3A_12 = tpu.matmul %add3A_8, %get3A_11, %dot_general3A {dimension_numbers = #tpu.dot_dimension_numbers<[1], [0], [0], [1], [0, 0, 1, 1], [], []>, transpose_lhs_hint = false} : vector<1000x128xf32>, vector<128x256xf32>, vector<1000x256xf32> -> vector<1000x256xf32>
    %get3A_13 = arith.constant 0 : index
    %get3A_14 = arith.constant 0 : index
    %get3A_15 = vector.load %arg5[%get3A_13, %get3A_14] : memref<1x256xf32, #tpu.memory_space<vmem>>, vector<1x256xf32>
    %add3A_16 = vector.broadcast %get3A_15 : vector<1x256xf32> to vector<1000x256xf32>
    %add3A_17 = arith.addf %dot_general3A_12, %add3A_16 : vector<1000x256xf32>
    %max3A = arith.constant 0.000000e+00 : f32
    %max3A_18 = vector.broadcast %max3A : f32 to vector<1000x256xf32>
    %max3A_19 = arith.maximumf %add3A_17, %max3A_18 : vector<1000x256xf32>
    %get3A_20 = arith.constant 0 : index
    %get3A_21 = arith.constant 0 : index
    %get3A_22 = vector.load %arg6[%get3A_20, %get3A_21] : memref<256x128xf32, #tpu.memory_space<vmem>>, vector<256x128xf32>
    %dot_general3A_23 = arith.constant dense<0.000000e+00> : vector<1000x128xf32>
    %dot_general3A_24 = tpu.matmul %max3A_19, %get3A_22, %dot_general3A_23 {dimension_numbers = #tpu.dot_dimension_numbers<[1], [0], [0], [1], [0, 0, 1, 1], [], []>, transpose_lhs_hint = false} : vector<1000x256xf32>, vector<256x128xf32>, vector<1000x128xf32> -> vector<1000x128xf32>
    %get3A_25 = arith.constant 0 : index
    %get3A_26 = arith.constant 0 : index
    %get3A_27 = vector.load %arg7[%get3A_25, %get3A_26] : memref<1x128xf32, #tpu.memory_space<vmem>>, vector<1x128xf32>
    %add3A_28 = vector.broadcast %get3A_27 : vector<1x128xf32> to vector<1000x128xf32>
    %add3A_29 = arith.addf %dot_general3A_24, %add3A_28 : vector<1000x128xf32>
    %swap3A = arith.constant 0 : index
    %swap3A_30 = arith.constant 0 : index
    %swap3A_31 = vector.load %arg8[%swap3A, %swap3A_30] : memref<1000x128xf32, #tpu.memory_space<vmem>>, vector<1000x128xf32>
    tpu.vector_store %arg8[%swap3A, %swap3A_30], %add3A_29 {strides = array<i32>} : memref<1000x128xf32, #tpu.memory_space<vmem>>, vector<1000x128xf32>,
    return
  }
  func.func @transform_0(%arg0: i32) -> (i32, i32) {
    %c0_i32 = arith.constant 0 : i32
    %c0_i32_0 = arith.constant 0 : i32
    return %arg0, %c0_i32 : i32, i32
  }
  func.func @transform_1(%arg0: i32) -> (i32, i32) {
    %c0_i32 = arith.constant 0 : i32
    %c0_i32_0 = arith.constant 0 : i32
    return %arg0, %c0_i32 : i32, i32
  }
  func.func @transform_2(%arg0: i32) -> (i32, i32) {
    %c0_i32 = arith.constant 0 : i32
    %c0_i32_0 = arith.constant 0 : i32
    return %arg0, %c0_i32 : i32, i32
  }
  func.func @transform_3(%arg0: i32) -> (i32, i32) {
    %c0_i32 = arith.constant 0 : i32
    %c0_i32_0 = arith.constant 0 : i32
    %c0_i32_1 = arith.constant 0 : i32
    return %c0_i32, %c0_i32_0 : i32, i32
  }
  func.func @transform_4(%arg0: i32) -> (i32, i32) {
    %c0_i32 = arith.constant 0 : i32
    %c0_i32_0 = arith.constant 0 : i32
    %c0_i32_1 = arith.constant 0 : i32
    return %c0_i32, %c0_i32_0 : i32, i32
  }
  func.func @transform_5(%arg0: i32) -> (i32, i32) {
    %c0_i32 = arith.constant 0 : i32
    %c0_i32_0 = arith.constant 0 : i32
    %c0_i32_1 = arith.constant 0 : i32
    return %c0_i32, %c0_i32_0 : i32, i32
  }
  func.func @transform_6(%arg0: i32) -> (i32, i32) {
    %c0_i32 = arith.constant 0 : i32
    %c0_i32_0 = arith.constant 0 : i32
    %c0_i32_1 = arith.constant 0 : i32
    return %c0_i32, %c0_i32_0 : i32, i32
  }
  func.func @transform_7(%arg0: i32) -> (i32, i32) {
    %c0_i32 = arith.constant 0 : i32
    %c0_i32_0 = arith.constant 0 : i32
    return %arg0, %c0_i32 : i32, i32
  }
}

</mosaic_0001>

<sc_bundles>
// kernel: kernel.4.cloned.1.call-start
scs
__scs_entry_jumppad:
0x0: {  	(pc) =	sbr.rel $0x88, $3  }
0x1: {  	(tag) =	ssettag $0x0;
	lr =	simm.s32 $0x1  }
0x2: {  	[smem:$0x3F9A] =	sst lr;
	_ =	strace $0xD0000000  }
0x3: {  	_ = 	snop  }
0x4: {  	_ = 	snop  }
0x5: {  	_ = 	snop  }
0x6: {  	_ = 	snop  }
0x7: {  	_ = 	snop  }
__scs_overlays_trampoline_lowered:
0x8: {  	[smem:$0x3FA9] =	sst s0  }
0x9: {  	[smem:$0x3FAA] =	sst s1  }
0xa: {  	[smem:$0x3FAB] =	sst s2  }
0xb: {  	[smem:$0x3FAC] =	sst s3  }
0xc: {  	[smem:$0x3FAD] =	sst s4  }
0xd: {  	[smem:$0x3FAE] =	sst s5  }
0xe: {  	[smem:$0x3FAF] =	sst s6  }
0xf: {  	[smem:$0x3FB0] =	sst s7  }
0x10: {  	[smem:$0x3FB1] =	sst s8  }
0x11: {  	[smem:$0x3FB2] =	sst s9;
	s0 =	simm.s32 @!p0 $0x0  }
0x12: {  	s1 =	sld [smem:$0x3F98];
	s0 =	simm.s32 @p0 $0x1  }
0x13: {  	[smem:$0x3FB3] =	sst s0;
	s0 =	simm.s32 @!p1 $0x0  }
0x14: {  	s2 =	sld [smem:$0x3F97];
	s0 =	simm.s32 @p1 $0x1  }
0x15: {  	[smem:$0x3FB4] =	sst s0;
	s0 =	simm.s32 @!p2 $0x0  }
0x16: {  	s3 =	sld [smem:$0x3FDB];
	s0 =	simm.s32 @p2 $0x1  }
0x17: {  	s4 =	simm.s32 $0x1BF5;
	[smem:$0x3FB6] =	sst s0  }
0x18: {  	s0 =	sld [smem:$0x3F99];
	_ =	swait.ge [sflag:s4], $0x0  }
0x19: {  	s7 =	sld [smem:$0x3F9A]  }
0x1a: {  	s8 =	sadd.s32 $0xFFFFE003, lr  }
0x1b: {  	s9 =	sadd.s32 $0xFFFFFEF7, lr;
	s5 =	simm.s32 $0xFFFFFFFF;
	p2 =	slt.u32 s8, $0xFFFFF086  }
0x1c: {  	p1 =	slt.u32 s9, $0xF7A;
	s5 =	simm.s32 @!p2 $0x0  }
0x1d: {  	s5 =	simm.s32 @p1 $0x1;
	p0 =	seq.s32 s7, s2  }
0x1e: {  	s7 =	smul.u32 @!p0 $0xF7A, s2;
	p2 =	seq.s32 @!p0 s5, $0x0  }
0x1f: {  	s9 =	smul.u32 $0xF7A, s1;
	s8 =	simm.s32 @!p0 $0x1BF5;
	p2 =	por !p2, p0  }
0x20: {  	[sflag:s8] =	ssyncset.s32 @!p0 $0xFFFFF086;
	s6 =	sadd.s32 @!p0 s3, s7;
	s7 =	simm.s32 @!p0 $0x108  }
0x21: {  	s3 =	sadd.s32 s3, s9;
	s6 =	sadd.s32 @!p0 $0x88, s6;
	s7 =	simm.s32 @p2 $0x1082  }
0x22: {  	[simem:s7], [sflag:s8] =	dma.local @!p0 [hbm:s6], $0xF7A  }
0x23: {  	s9 =	sor.u32 $0xD0000000, s2;
	s6 =	simm.s32 $0x108;
	_ =	swait.ge @!p0 [sflag:s8], $0x0  }
0x24: {  	s3 =	sadd.s32 $0x88, s3;
	s6 =	simm.s32 @!p1 $0x1082;
	[sflag:s4] =	ssyncset.s32 $0xFFFFF086  }
0x25: {  	[simem:s6], [sflag:s4] =	dma.local [hbm:s3], $0xF7A  }
0x26: {  	[smem:$0x3F9A] =	sst s1;
	(tag) =	ssettag s2;
	_ =	strace s9  }
0x27: {  	s1 =	sld [smem:$0x3FAA]  }
0x28: {  	s2 =	sld [smem:$0x3FAB]  }
0x29: {  	s4 =	sld [smem:$0x3FAD]  }
0x2a: {  	p0 =	seq.s32 s5, $0x0;
	s5 =	sld [smem:$0x3FAE]  }
0x2b: {  	s6 =	sld [smem:$0x3FAF]  }
0x2c: {  	s7 =	sld [smem:$0x3FB0]  }
0x2d: {  	s3 =	simm.s32 $0x108;
	s8 =	sld [smem:$0x3FB1]  }
0x2e: {  	s3 =	simm.s32 @!p0 $0x1082;
	s9 =	sld [smem:$0x3FB2]  }
0x2f: {  	lr =	sadd.s32 s0, s3;
	s0 =	sld [smem:$0x3FA9]  }
0x30: {  	s3 =	sld [smem:$0x3FAC]  }
0x31: {  	[smem:$0x3FB5] =	sst s10  }
0x32: {  	s10 =	sld [smem:$0x3FB3];
	_ =	sdelay $0x3  }
0x33: {  	p0 =	seq.s32 s10, $0x1;
	s10 =	sld [smem:$0x3FB5];
	_ =	sdelay $0x3  }
0x34: {  	[smem:$0x3FB5] =	sst s10  }
0x35: {  	s10 =	sld [smem:$0x3FB4];
	_ =	sdelay $0x3  }
0x36: {  	p1 =	seq.s32 s10, $0x1;
	s10 =	sld [smem:$0x3FB5];
	_ =	sdelay $0x3  }
0x37: {  	[smem:$0x3FB5] =	sst s10  }
0x38: {  	s10 =	sld [smem:$0x3FB6]  }
0x39: {  	_ = 	snop;
	(pc) =	sbr.ind lr, $3  }
0x3a: {  	_ = 	snop  }
0x3b: {  	_ = 	snop  }
0x3c: {  	p2 =	seq.s32 s10, $0x1;
	s10 =	sld [smem:$0x3FB5]  }
0x3d: {  	_ =	shalt  }
0x3e: {  	_ =	shalt  }
0x3f: {  	_ =	shalt  }
0x40: {  	_ =	shalt  }
0x41: {  	_ =	shalt  }
0x42: {  	_ =	shalt  }
0x43: {  	_ =	shalt  }
0x44: {  	_ =	shalt  }
0x45: {  	_ =	shalt  }
0x46: {  	_ =	shalt  }
0x47: {  	_ =	shalt  }
0x48: {  	_ =	shalt  }
0x49: {  	_ =	shalt  }
0x4a: {  	_ =	shalt  }
0x4b: {  	_ =	shalt  }
0x4c: {  	_ =	shalt  }
0x4d: {  	_ =	shalt  }
0x4e: {  	_ =	shalt  }
0x4f: {  	_ =	shalt  }
0x50: {  	_ =	shalt  }
0x51: {  	_ =	shalt  }
0x52: {  	_ =	shalt  }
0x53: {  	_ =	shalt  }
0x54: {  	_ =	shalt  }
0x55: {  	_ =	shalt  }
0x56: {  	_ =	shalt  }
0x57: {  	_ =	shalt  }
0x58: {  	_ =	shalt  }
0x59: {  	_ =	shalt  }
0x5a: {  	_ =	shalt  }
0x5b: {  	_ =	shalt  }
0x5c: {  	_ =	shalt  }
0x5d: {  	_ =	shalt  }
0x5e: {  	_ =	shalt  }
0x5f: {  	_ =	shalt  }
0x60: {  	_ =	shalt  }
0x61: {  	_ =	shalt  }
0x62: {  	_ =	shalt  }
0x63: {  	_ =	shalt  }
0x64: {  	_ =	shalt  }
0x65: {  	_ =	shalt  }
0x66: {  	_ =	shalt  }
0x67: {  	_ =	shalt  }
0x68: {  	_ =	shalt  }
0x69: {  	_ =	shalt  }
0x6a: {  	_ =	shalt  }
0x6b: {  	_ =	shalt  }
0x6c: {  	_ =	shalt  }
0x6d: {  	_ =	shalt  }
0x6e: {  	_ =	shalt  }
0x6f: {  	_ =	shalt  }
0x70: {  	_ =	shalt  }
0x71: {  	_ =	shalt  }
0x72: {  	_ =	shalt  }
0x73: {  	_ =	shalt  }
0x74: {  	_ =	shalt  }
0x75: {  	_ =	shalt  }
0x76: {  	_ =	shalt  }
0x77: {  	_ =	shalt  }
0x78: {  	_ =	shalt  }
0x79: {  	_ =	shalt  }
0x7a: {  	_ =	shalt  }
0x7b: {  	_ =	shalt  }
0x7c: {  	_ =	shalt  }
0x7d: {  	_ =	shalt  }
0x7e: {  	_ =	shalt  }
0x7f: {  	_ =	shalt  }
0x80: {  	_ =	shalt  }
0x81: {  	_ =	shalt  }
0x82: {  	_ =	shalt  }
0x83: {  	_ =	shalt  }
0x84: {  	_ =	shalt  }
0x85: {  	_ =	shalt  }
0x86: {  	_ =	shalt  }
0x87: {  	_ =	shalt  }
.Lfunc_end0:
.L_simem_size_0:
called_computation_lowered:
.L_overlay_start_0:
0x88: {  	s2 =	sld [smem:$0x3FD9]  }
0x89: {  	s3 =	sld [smem:$0x3FFE];
	_ =	sdelay $0x1  }
0x8a: {  	s1 =	srdreg.scid  }
0x8b: {  	s0 =	sand.u32 $0x1, s1  }
0x8c: {  	s17 =	sshll.u32 s0, $0xA;
	s2 =	sadd.s32 s3, s2  }
0x8d: {  	s2 =	sadd.s32 s2, s17  }
0x8e: {  	[smem:$0x3FC1] =	sst s2  }
0x8f: {  	_ = 	snop  }
0x90: {  	s2 =	sld [smem:$0x3FC9]  }
0x91: {  	s18 =	sld [smem:$0x3FC7];
	(tm) =	ssettm $0x1  }
0x92: {  	s4 =	sld [smem:$0x3FFB];
	_ =	sdelay $0x3  }
0x93: {  	_ =	strace s4  }
0x94: {  	s4 =	sld [smem:$0x3FFC];
	_ =	sdelay $0x3  }
0x95: {  	_ =	strace s4  }
0x96: {  	s4 =	sld [smem:$0x3FFD];
	_ =	sdelay $0x3  }
0x97: {  	_ =	strace s4  }
0x98: {  	_ =	strace $0x8FFFFFFF  }
0x99: {  	s19 =	sld [smem:$0x3FDB];
	_ =	sdelay $0x1  }
0x9a: {  	s5 =	simm.s32 $_scs_section_size  }
0x9b: {  	s6 =	simm.s32 $_size__tile_overlayer_lowered;
	s7 =	simm.s32 $_tile_overlayer_lowered  }
0x9c: {  	s22 =	simm.s32 $0x1BFF;
	s21 =	sshll.u32 s7, $0x1;
	s4 =	sadd.s32 s5, s19  }
0x9d: {  	s8 =	simm.s32 $0x0;
	s20 =	sshll.u32 s6, $0x1;
	s6 =	sadd.s32 s21, s4  }
0x9e: {  	[timem:s8], [sflag:s22] =	dma.local [hbm:s6], s20  }
0x9f: {  	_ =	swait.ge [sflag:s22], s20  }
0xa0: {  	s5 =	ssub.s32 $0x0, s20;
	[sflag:s22] =	ssyncset.done $0x0  }
0xa1: {  	[sflag:s22] =	ssyncadd.s32 s5;
	_ =	sdelay $0x1  }
0xa2: {  	s23 =	simm.s32 $0x1B8B  }
0xa3: {  	_ =	swait.ge [sflag:s23], $0x1  }
0xa4: {  	[sflag:s23] =	ssyncset.done $0x0  }
0xa5: {  	s25 =	simm.s32 $0x1B8E;
	s24 =	sld [smem:$0x3FFE];
	[sflag:s23] =	ssyncadd.s32 $0xFFFFFFFF  }
0xa6: {  	s26 =	simm.s32 $execute0_lowered;
	[smem:$0x3FD2] =	sst s25  }
0xa7: {  	s6 =	sshll.u32 s26, $0x1;
	_ =	strace $0x80000046;
	[dreg:$0x1] =	wrdreg $0xFFFFFFFF  }
0xa8: {  	s28 =	simm.s32 $_size_execute0_lowered;
	s4 =	sadd.s32 s4, s6;
	[dreg:$0x0] =	wrdreg $0x0  }
0xa9: {  	s6 =	sshll.u32 s28, $0x1;
	[dreg:$0x2] =	wrdreg s4  }
0xaa: {  	[dreg:$0x3] =	wrdreg s6  }
0xab: {  	[dreg:$0x4] =	wrdreg $0xC0  }
0xac: {  	_ =	task [dreg:s8], $0x5FFFF  }
0xad: {  	[dreg:$0x1] =	wrdreg $0xFFFFFFFF  }
0xae: {  	[dreg:$0x0] =	wrdreg $0x60  }
0xaf: {  	[dreg:$0x2] =	wrdreg s2  }
0xb0: {  	[dreg:$0x3] =	wrdreg s24  }
0xb1: {  	[dreg:$0x4] =	wrdreg s18  }
0xb2: {  	[dreg:$0x5] =	wrdreg $0x5A000  }
0xb3: {  	[dreg:$0x6] =	wrdreg $0x9  }
0xb4: {  	_ =	task.clear_ibuf [dreg:s8], $0x7FFFF;
	_ =	strace $0x90000046  }
0xb5: {  	s29 =	simm.s32 $0x9;
	_ =	strace $0x80000048  }
0xb6: {  	_ =	swait.ge [sflag:s29], $0x1  }
0xb7: {  	[sflag:s29] =	ssyncadd.s32 $0xFFFFFFFF  }
0xb8: {  	_ =	strace $0x90000048  }
0xb9: {  	_ =	sfence  }
0xba: {  	s30 =	sld [smem:$0x0];
	_ =	sdelay $0x2  }
0xbb: {  	s31 =	sshll.u32 s1, $0xD;
	s1 =	sshrl.u32 s1, $0x2  }
0xbc: {  	s3 =	sand.u32 $0x4000, s31;
	s1 =	sadd.s32 s1, s30  }
0xbd: {  	s0 =	sor.u32 s3, s0;
	s1 =	sshll.u32 s1, $0x11  }
0xbe: {  	s0 =	sor.u32 s1, s0  }
0xbf: {  	s0 =	sadd.s32 $0x8F2B, s0  }
0xc0: {  	[sflag:s0] =	ssyncadd.remote.s32 $0x1  }
0xc1: {  	_ =	sfence.sel $0xFFFF  }
0xc2: {  	[dreg:$0x0] =	wrdreg $0xFFFFFFFF;
	(pc) =	sbr.abs _section_cstart, $3  }
0xc3: {  	[dreg:$0x1] =	wrdreg $0xFFFFFFFF  }
0xc4: {  	_ =	task.clear_ibuf [dreg:s8], $0x2FFFF;
	_ =	strace $0x9FFFFFFF  }
0xc5: {  	(tm) =	ssettm $0x7FFFFFFF  }
tec
execute0_lowered:
.L_overlay_start_1:
0x0: {  	(tag) =	ssettag $0x1  }
0x1: {  	s1 =	rddreg [dreg:$0x0]  }
0x2: {  	s7 =	rddreg [dreg:$0x1]  }
0x3: {  	s2 =	rddreg [dreg:$0x2]  }
0x4: {  	s3 =	rddreg [dreg:$0x3]  }
0x5: {  	s0 =	rddreg [dreg:$0x4];
	s4 =	simm.s32 $0x0;
	s5 =	srdreg.scid  }
0x6: {  	s12 =	simm.s32 $0x28;
	s13 =	simm.s32 $0xA00;
	s14 =	simm.s32 $0x1E00  }
0x7: {  	s15 =	simm.s32 $0x3200;
	s16 =	simm.s32 $0x4600;
	s17 =	simm.s32 $0x1  }
0x8: {  	s18 =	simm.s32 $0x3;
	s19 =	simm.s32 $0x2;
	s20 =	simm.s32 $0x4  }
0x9: {  	s21 =	simm.s32 $0x5;
	s22 =	simm.s32 $0x6;
	[smem:$0x7FF] =	sst s4  }
0xa: {  	s8 =	sand.u32 $0x1, s5;
	s6 =	sadd.s32 $0x1000, s7;
	s5 =	stileid.u32  }
0xb: {  	_ =	strace $0x80000047;
	s9 =	smul.u32 $0x27100, s8;
	s10 =	ssub.s32 $0x2, s8  }
0xc: {  	s8 =	sshll.u32 s8, $0x4;
	s11 =	smul.u32 $0x5000, s5;
	s31 =	sshrl.u32 s10, $0x1  }
0xd: {  	s8 =	sor.u32 s5, s8;
	s9 =	sadd.s32 s9, s7;
	s10 =	ssub.s32 s10, s31  }
0xe: {  	s7 =	smul.u32 $0xFA, s8;
	s11 =	sshrl.u32 s11, $0x2;
	s8 =	sadd.s32 $0x3F800, s9  }
0xf: {  	v0 =	vimm.f32 $0.0e+00;
	s9 =	smax.u32 s10, $0x1;
	s10 =	sadd.s32 s11, s3;
	s11 =	smul.u32 $0x280, s5  }
.LBB2_1:
0x10: {  	s23 =	simm.s32 $0x0;
	s24 =	simm.s32 $0x200  }
.LBB2_2:
0x11: {  	p0 =	sne.s32 s24, $0x4E00;
	[tilespmem:s23+$0x3270] =	vst v0  }
0x12: {  	[tilespmem:s23+$0x3200] =	vst v0  }
0x13: {  	[tilespmem:s23+$0x3210] =	vst v0  }
.Ltmp0:
0x14: {  	[tilespmem:s23+$0x3220] =	vst v0;
	(pc) =	sbr.rel @p0 .LBB2_2-.Ltmp0, $4  }
0x15: {  	[tilespmem:s23+$0x3230] =	vst v0  }
0x16: {  	[tilespmem:s23+$0x3240] =	vst v0  }
0x17: {  	[tilespmem:s23+$0x3250] =	vst v0  }
0x18: {  	[tilespmem:s23+$0x3260] =	vst v0;
	s23 =	sshra.s32 s24, $0x2;
	s24 =	sadd.s32 $0x200, s24  }
0x19: {  	[tilespmem:s23+$0x3270] =	vst v0  }
0x1a: {  	[tilespmem:s23+$0x3200] =	vst v0  }
0x1b: {  	[tilespmem:s23+$0x3210] =	vst v0  }
0x1c: {  	[tilespmem:s23+$0x3220] =	vst v0  }
0x1d: {  	[tilespmem:s23+$0x3230] =	vst v0  }
0x1e: {  	[tilespmem:s23+$0x3240] =	vst v0;
	s24 =	sadd.s32 $0x0, s5  }
0x1f: {  	[tilespmem:s23+$0x3250] =	vst v0;
	p0 =	sgt.u32 s24, $0xF9  }
0x20: {  	[tilespmem:s23+$0x3260] =	vst v0;
	s23 =	simm.s32 @!p0 $0x3200;
	s26 =	simm.s32 @!p0 $0x7  }
0x21: {  	[spmem:s10] =	stream.linear.scatter @!p0 [tilespmem:s23], [sflag:$0x7], $0x1400, $0x38;
	[tilespmem:$0x19280] =	vst v63  }
0x22: {  	s25 =	simm.s32 $0x20;
	_ =	swait.ge @!p0 [sflag:s26], $0x1400  }
0x23: {  	s24 =	simm.s32 $0x10;
	s23 =	sadd.s32 $0x14000, s10;
	[sflag:s26] =	ssyncset.done @!p0 $0x0  }
.LBB2_4:
0x24: {  	s28 =	sadd.s32 s24, s5;
	s24 =	smov.u32 s25;
	s25 =	sadd.s32 $0x10, s25  }
0x25: {  	[sflag:s26] =	ssyncadd.s32 @!p0 $0xFFFFEC00;
	p1 =	sne.s32 s25, $0x100  }
.Ltmp1:
0x26: {  	p0 =	sgt.u32 s28, $0xF9;
	(pc) =	sbr.rel @p1 .LBB2_4-.Ltmp1, $4  }
0x27: {  	s28 =	simm.s32 @!p0 $0x3200;
	s26 =	simm.s32 @!p0 $0x7  }
0x28: {  	[spmem:s23] =	stream.linear.scatter @!p0 [tilespmem:s28], [sflag:$0x7], $0x1400, $0x38;
	[tilespmem:$0x19280] =	vst v63  }
0x29: {  	_ =	swait.ge @!p0 [sflag:s26], $0x1400  }
0x2a: {  	s23 =	sadd.s32 $0x14000, s23;
	[sflag:s26] =	ssyncset.done @!p0 $0x0  }
0x2b: {  	s24 =	sadd.s32 s24, s5  }
0x2c: {  	p1 =	sgt.u32 s24, $0xF9  }
0x2d: {  	[sflag:s26] =	ssyncadd.s32 @!p0 $0xFFFFEC00;
	s24 =	simm.s32 @!p1 $0x3200;
	s25 =	simm.s32 @!p1 $0x7  }
0x2e: {  	[spmem:s23] =	stream.linear.scatter @!p1 [tilespmem:s24], [sflag:$0x7], $0x1400, $0x38;
	[tilespmem:$0x19280] =	vst v63  }
0x2f: {  	_ =	swait.ge @!p1 [sflag:s25], $0x1400  }
0x30: {  	[sflag:s25] =	ssyncset.done @!p1 $0x0  }
0x31: {  	[sflag:s25] =	ssyncadd.s32 @!p1 $0xFFFFEC00  }
0x32: {  	s23 =	simm.s32 $0x0;
	s24 =	simm.s32 $0x0;
	[bflag:$0x0] =	sbarrier.arrive $0xFFFF  }
.LBB2_6:
0x33: {  	s25 =	smul.u32 $0xCD, s24;
	_ =	sdelay $0x1  }
0x34: {  	s25 =	sshrl.u32 s25, $0xA  }
0x35: {  	s25 =	sand.u32 $0x3F, s25  }
0x36: {  	s25 =	smul.u32 $0x5, s25;
	_ =	sdelay $0x1  }
0x37: {  	s25 =	ssub.s32 s24, s25  }
0x38: {  	s26 =	sshll.u32 s24, $0x1;
	s25 =	sand.u32 $0xFF, s25  }
0x39: {  	s26 =	sadd.s32 s7, s26;
	p0 =	sne.s32 s25, $0x0  }
0x3a: {  	s28 =	sshll.u32 @!p0 s26, $0x5  }
0x3b: {  	s29 =	simm.s32 @!p0 $0x0;
	s28 =	sadd.s32 @!p0 s6, s28  }
0x3c: {  	[tilespmem:s29], [sflag:$0x7] =	stream.linear.gather @!p0 [hbm4b:s28+s29], $0xA00, $0x38;
	[tilespmem:$0x19280] =	vst v63  }
0x3d: {  	s28 =	simm.s32 @!p0 $0x7  }
0x3e: {  	_ =	swait.ge @!p0 [sflag:s28], $0xA00  }
0x3f: {  	s31 =	smul.u32 $0x280, s26;
	[sflag:s28] =	ssyncset.done @!p0 $0x0  }
0x40: {  	s25 =	sshll.u32 s25, $0x9;
	s26 =	smul.u32 $0x1400, s26;
	[sflag:s28] =	ssyncadd.s32 @!p0 $0xFFFFF600  }
0x41: {  	[tilespmem:s13], [sflag:$0x1] =	stream.indirect.gather [hbm4b:s1+s12], $0x80, s25, s12, $0xb8;
	[tilespmem:$0x19280] =	vst v63  }
0x42: {  	s26 =	sshrl.u32 s26, $0x3;
	s28 =	sor.u32 $0x100, s25  }
0x43: {  	[tilespmem:s14], [sflag:$0x2] =	stream.indirect.gather [hbm4b:s1+s12], $0x80, s28, s12, $0xb8;
	[tilespmem:$0x19280] =	vst v63  }
0x44: {  	s26 =	sadd.s32 s2, s26;
	s28 =	sadd.s32 s2, s31  }
0x45: {  	[tilespmem:s15], [sflag:$0x3] =	stream.linear.gather [hbm4b:s28+s23], $0x1400, $0x38;
	[tilespmem:$0x19280] =	vst v63  }
0x46: {  	s26 =	sadd.s32 $0x280, s26  }
0x47: {  	[tilespmem:s16], [sflag:$0x4] =	stream.linear.gather [hbm4b:s26+s23], $0x1400, $0x38;
	[tilespmem:$0x19280] =	vst v63  }
0x48: {  	_ =	swait.ge [sflag:s17], $0x1400  }
0x49: {  	[sflag:s17] =	ssyncset.done $0x0  }
0x4a: {  	[sflag:s17] =	ssyncadd.s32 $0xFFFFEC00  }
0x4b: {  	_ =	swait.ge [sflag:s18], $0x1400  }
0x4c: {  	[sflag:s18] =	ssyncset.done $0x0  }
0x4d: {  	s26 =	simm.s32 $0x0;
	[sflag:s18] =	ssyncadd.s32 $0xFFFFEC00  }
0x4e: {  	v7 =	vld [tilespmem:s26+$0xA00]  }
0x4f: {  	v12 =	vld [tilespmem:s26+$0xA10]  }
0x50: {  	v6 =	vld [tilespmem:s26+$0xA20]  }
0x51: {  	v5 =	vld [tilespmem:s26+$0xA30]  }
0x52: {  	v4 =	vld [tilespmem:s26+$0xA40]  }
0x53: {  	v3 =	vld [tilespmem:s26+$0xA50]  }
0x54: {  	v2 =	vld [tilespmem:s26+$0xA60]  }
0x55: {  	v1 =	vld [tilespmem:s26+$0xA70]  }
0x56: {  	v13 =	vld [tilespmem:s26+$0x3200]  }
0x57: {  	v14 =	vld [tilespmem:s26+$0x3210]  }
0x58: {  	v11 =	vld [tilespmem:s26+$0x3220]  }
0x59: {  	v10 =	vld [tilespmem:s26+$0x3230]  }
0x5a: {  	v9 =	vld [tilespmem:s26+$0x3240]  }
0x5b: {  	v8 =	vld [tilespmem:s26+$0x3250];
	v13 =	vadd.f32 v13, v7  }
0x5c: {  	s28 =	simm.s32 $0x200;
	v12 =	vadd.f32 v14, v12;
	v7 =	vld [tilespmem:s26+$0x3260]  }
.LBB2_7:
0x5d: {  	s29 =	sshra.s32 s28, $0x2;
	p0 =	sne.s32 s28, $0x4E00;
	v13 =	vmax.f32 v13, $0.0e+00;
	v6 =	vadd.f32 v11, v6;
	v11 =	vld [tilespmem:s26+$0x3270]  }
0x5e: {  	v14 =	vld [tilespmem:s29+$0xA00];
	[tilespmem:s26+$0x3200] =	vst v13;
	v12 =	vmax.f32 v12, $0.0e+00;
	v5 =	vadd.f32 v10, v5  }
0x5f: {  	v15 =	vld [tilespmem:s29+$0xA10];
	[tilespmem:s26+$0x3210] =	vst v12;
	v10 =	vmax.f32 v6, $0.0e+00;
	v4 =	vadd.f32 v9, v4  }
0x60: {  	v6 =	vld [tilespmem:s29+$0xA20];
	[tilespmem:s26+$0x3220] =	vst v10;
	v9 =	vmax.f32 v5, $0.0e+00;
	v3 =	vadd.f32 v8, v3  }
0x61: {  	v5 =	vld [tilespmem:s29+$0xA30];
	[tilespmem:s26+$0x3230] =	vst v9;
	v8 =	vmax.f32 v4, $0.0e+00;
	v2 =	vadd.f32 v7, v2  }
0x62: {  	v4 =	vld [tilespmem:s29+$0xA40];
	[tilespmem:s26+$0x3240] =	vst v8;
	v7 =	vmax.f32 v3, $0.0e+00;
	v1 =	vadd.f32 v11, v1  }
0x63: {  	v3 =	vld [tilespmem:s29+$0xA50];
	[tilespmem:s26+$0x3250] =	vst v7;
	v7 =	vmax.f32 v2, $0.0e+00  }
0x64: {  	v2 =	vld [tilespmem:s29+$0xA60];
	[tilespmem:s26+$0x3260] =	vst v7;
	v7 =	vmax.f32 v1, $0.0e+00  }
0x65: {  	v1 =	vld [tilespmem:s29+$0xA70];
	[tilespmem:s26+$0x3270] =	vst v7;
	s26 =	smov.u32 s29  }
0x66: {  	v7 =	vld [tilespmem:s26+$0x3200]  }
0x67: {  	v12 =	vld [tilespmem:s26+$0x3210]  }
.Ltmp2:
0x68: {  	v11 =	vld [tilespmem:s26+$0x3220];
	(pc) =	sbr.rel @p0 .LBB2_7-.Ltmp2, $4  }
0x69: {  	v10 =	vld [tilespmem:s26+$0x3230]  }
0x6a: {  	v9 =	vld [tilespmem:s26+$0x3240]  }
0x6b: {  	v13 =	vadd.f32 v7, v14;
	v8 =	vld [tilespmem:s26+$0x3250]  }
0x6c: {  	s28 =	sadd.s32 $0x200, s28;
	v12 =	vadd.f32 v12, v15;
	v7 =	vld [tilespmem:s26+$0x3260]  }
0x6d: {  	v13 =	vmax.f32 v13, $0.0e+00;
	v6 =	vadd.f32 v11, v6;
	v11 =	vld [tilespmem:s26+$0x3270]  }
0x6e: {  	[tilespmem:s26+$0x3200] =	vst v13;
	v12 =	vmax.f32 v12, $0.0e+00;
	v5 =	vadd.f32 v10, v5  }
0x6f: {  	[tilespmem:s26+$0x3210] =	vst v12;
	v6 =	vmax.f32 v6, $0.0e+00;
	v4 =	vadd.f32 v9, v4  }
0x70: {  	[tilespmem:s26+$0x3220] =	vst v6;
	v5 =	vmax.f32 v5, $0.0e+00;
	v3 =	vadd.f32 v8, v3  }
0x71: {  	[tilespmem:s26+$0x3230] =	vst v5;
	v4 =	vmax.f32 v4, $0.0e+00;
	v2 =	vadd.f32 v7, v2  }
0x72: {  	[tilespmem:s26+$0x3240] =	vst v4;
	v3 =	vmax.f32 v3, $0.0e+00;
	v1 =	vadd.f32 v11, v1  }
0x73: {  	[tilespmem:s26+$0x3250] =	vst v3;
	v2 =	vmax.f32 v2, $0.0e+00  }
0x74: {  	[tilespmem:s26+$0x3260] =	vst v2;
	v1 =	vmax.f32 v1, $0.0e+00  }
0x75: {  	s31 =	sadd.s32 $0x80, s25;
	[tilespmem:s26+$0x3270] =	vst v1  }
0x76: {  	[spmem:s3] =	stream.indirect.scatter.add.f32 [tilespmem:s15], [sflag:$0x5], $0x80, s31, s12, $0xb8;
	[tilespmem:$0x19280] =	vst v63  }
0x77: {  	_ =	swait.ge [sflag:s19], $0x1400  }
0x78: {  	[sflag:s19] =	ssyncset.done $0x0  }
0x79: {  	[sflag:s19] =	ssyncadd.s32 $0xFFFFEC00  }
0x7a: {  	_ =	swait.ge [sflag:s20], $0x1400  }
0x7b: {  	[sflag:s20] =	ssyncset.done $0x0  }
0x7c: {  	s26 =	simm.s32 $0x0;
	[sflag:s20] =	ssyncadd.s32 $0xFFFFEC00  }
0x7d: {  	v7 =	vld [tilespmem:s26+$0x1E00]  }
0x7e: {  	v12 =	vld [tilespmem:s26+$0x1E10]  }
0x7f: {  	v6 =	vld [tilespmem:s26+$0x1E20]  }
0x80: {  	v5 =	vld [tilespmem:s26+$0x1E30]  }
0x81: {  	v4 =	vld [tilespmem:s26+$0x1E40]  }
0x82: {  	v3 =	vld [tilespmem:s26+$0x1E50]  }
0x83: {  	v2 =	vld [tilespmem:s26+$0x1E60]  }
0x84: {  	v1 =	vld [tilespmem:s26+$0x1E70]  }
0x85: {  	v13 =	vld [tilespmem:s26+$0x4600]  }
0x86: {  	v14 =	vld [tilespmem:s26+$0x4610]  }
0x87: {  	v11 =	vld [tilespmem:s26+$0x4620]  }
0x88: {  	v10 =	vld [tilespmem:s26+$0x4630]  }
0x89: {  	v9 =	vld [tilespmem:s26+$0x4640]  }
0x8a: {  	v8 =	vld [tilespmem:s26+$0x4650];
	v13 =	vadd.f32 v13, v7  }
0x8b: {  	s28 =	simm.s32 $0x200;
	v12 =	vadd.f32 v14, v12;
	v7 =	vld [tilespmem:s26+$0x4660]  }
.LBB2_9:
0x8c: {  	s29 =	sshra.s32 s28, $0x2;
	p0 =	sne.s32 s28, $0x4E00;
	v13 =	vmax.f32 v13, $0.0e+00;
	v6 =	vadd.f32 v11, v6;
	v11 =	vld [tilespmem:s26+$0x4670]  }
0x8d: {  	v14 =	vld [tilespmem:s29+$0x1E00];
	[tilespmem:s26+$0x4600] =	vst v13;
	v12 =	vmax.f32 v12, $0.0e+00;
	v5 =	vadd.f32 v10, v5  }
0x8e: {  	v15 =	vld [tilespmem:s29+$0x1E10];
	[tilespmem:s26+$0x4610] =	vst v12;
	v10 =	vmax.f32 v6, $0.0e+00;
	v4 =	vadd.f32 v9, v4  }
0x8f: {  	v6 =	vld [tilespmem:s29+$0x1E20];
	[tilespmem:s26+$0x4620] =	vst v10;
	v9 =	vmax.f32 v5, $0.0e+00;
	v3 =	vadd.f32 v8, v3  }
0x90: {  	v5 =	vld [tilespmem:s29+$0x1E30];
	[tilespmem:s26+$0x4630] =	vst v9;
	v8 =	vmax.f32 v4, $0.0e+00;
	v2 =	vadd.f32 v7, v2  }
0x91: {  	v4 =	vld [tilespmem:s29+$0x1E40];
	[tilespmem:s26+$0x4640] =	vst v8;
	v7 =	vmax.f32 v3, $0.0e+00;
	v1 =	vadd.f32 v11, v1  }
0x92: {  	v3 =	vld [tilespmem:s29+$0x1E50];
	[tilespmem:s26+$0x4650] =	vst v7;
	v7 =	vmax.f32 v2, $0.0e+00  }
0x93: {  	v2 =	vld [tilespmem:s29+$0x1E60];
	[tilespmem:s26+$0x4660] =	vst v7;
	v7 =	vmax.f32 v1, $0.0e+00  }
0x94: {  	v1 =	vld [tilespmem:s29+$0x1E70];
	[tilespmem:s26+$0x4670] =	vst v7;
	s26 =	smov.u32 s29  }
0x95: {  	v7 =	vld [tilespmem:s26+$0x4600]  }
0x96: {  	v12 =	vld [tilespmem:s26+$0x4610]  }
.Ltmp3:
0x97: {  	v11 =	vld [tilespmem:s26+$0x4620];
	(pc) =	sbr.rel @p0 .LBB2_9-.Ltmp3, $4  }
0x98: {  	v10 =	vld [tilespmem:s26+$0x4630]  }
0x99: {  	v9 =	vld [tilespmem:s26+$0x4640]  }
0x9a: {  	v13 =	vadd.f32 v7, v14;
	v8 =	vld [tilespmem:s26+$0x4650]  }
0x9b: {  	s28 =	sadd.s32 $0x200, s28;
	v12 =	vadd.f32 v12, v15;
	v7 =	vld [tilespmem:s26+$0x4660]  }
0x9c: {  	v13 =	vmax.f32 v13, $0.0e+00;
	v6 =	vadd.f32 v11, v6;
	v63 =	vld [tilespmem:s26+$0x4670]  }
0x9d: {  	[tilespmem:s26+$0x4600] =	vst v13;
	v12 =	vmax.f32 v12, $0.0e+00;
	v5 =	vadd.f32 v10, v5  }
0x9e: {  	[tilespmem:s26+$0x4610] =	vst v12;
	v6 =	vmax.f32 v6, $0.0e+00;
	v4 =	vadd.f32 v9, v4  }
0x9f: {  	[tilespmem:s26+$0x4620] =	vst v6;
	v5 =	vmax.f32 v5, $0.0e+00;
	v3 =	vadd.f32 v8, v3  }
0xa0: {  	[tilespmem:s26+$0x4630] =	vst v5;
	v4 =	vmax.f32 v4, $0.0e+00;
	v2 =	vadd.f32 v7, v2  }
0xa1: {  	[tilespmem:s26+$0x4640] =	vst v4;
	v3 =	vmax.f32 v3, $0.0e+00;
	v1 =	vadd.f32 v63, v1  }
0xa2: {  	[tilespmem:s26+$0x4650] =	vst v3;
	v2 =	vmax.f32 v2, $0.0e+00  }
0xa3: {  	[tilespmem:s26+$0x4660] =	vst v2;
	v1 =	vmax.f32 v1, $0.0e+00  }
0xa4: {  	s25 =	sadd.s32 $0x180, s25;
	s24 =	sadd.s32 $0x1, s24;
	[tilespmem:s26+$0x4670] =	vst v1  }
0xa5: {  	[spmem:s3] =	stream.indirect.scatter.add.f32 [tilespmem:s16], [sflag:$0x6], $0x80, s25, s12, $0xb8;
	[tilespmem:$0x19280] =	vst v63  }
0xa6: {  	p0 =	sne.s32 s24, $0x7D;
	_ =	swait.ge [sflag:s21], $0x1400  }
.Ltmp4:
0xa7: {  	[sflag:s21] =	ssyncset.done $0x0;
	(pc) =	sbr.rel @p0 .LBB2_6-.Ltmp4, $4  }
0xa8: {  	[sflag:s21] =	ssyncadd.s32 $0xFFFFEC00  }
0xa9: {  	_ =	swait.ge [sflag:s22], $0x1400  }
0xaa: {  	[sflag:s22] =	ssyncset.done $0x0  }
0xab: {  	[sflag:s22] =	ssyncadd.s32 $0xFFFFEC00  }
0xac: {  	s23 =	sadd.s32 $0x0, s5  }
0xad: {  	p0 =	sgt.u32 s23, $0xF9  }
0xae: {  	[bflag:$0x0] =	sbarrier.arrive $0xFFFF;
	s23 =	sshll.u32 @!p0 s5, $0x6;
	s25 =	simm.s32 @!p0 $0x7  }
0xaf: {  	s24 =	sadd.s32 @!p0 s11, s8;
	s26 =	sshrl.u32 @!p0 s10, $0x3;
	s23 =	sor.u32 @!p0 $0x1C07, s23  }
0xb0: {  	[hbm:s24], [sflag:s23] =	dma.local @!p0 [spmem:s26], $0x280  }
0xb1: {  	s28 =	sadd.s32 $0x10, s5;
	s26 =	simm.s32 $0x20;
	_ =	swait.ge @!p0 [sflag:s25], $0x280  }
0xb2: {  	s23 =	sadd.s32 $0x2800, s11;
	s24 =	sadd.s32 $0x14000, s10;
	[sflag:s25] =	ssyncset.done @!p0 $0x0  }
.LBB2_12:
0xb3: {  	[sflag:s25] =	ssyncadd.s32 @!p0 $0xFFFFFD80  }
0xb4: {  	p0 =	sgt.u32 s28, $0xF9;
	s28 =	smov.u32 s26;
	s26 =	sadd.s32 $0x10, s26  }
0xb5: {  	p1 =	sne.s32 s26, $0x100  }
.Ltmp5:
0xb6: {  	s29 =	sshll.u32 @!p0 s5, $0x6;
	s25 =	simm.s32 @!p0 $0x7;
	(pc) =	sbr.rel @p1 .LBB2_12-.Ltmp5, $4  }
0xb7: {  	s30 =	sadd.s32 @!p0 s23, s8;
	s31 =	sshrl.u32 @!p0 s24, $0x3;
	s29 =	sor.u32 @!p0 $0x1C07, s29  }
0xb8: {  	[hbm:s30], [sflag:s29] =	dma.local @!p0 [spmem:s31], $0x280  }
0xb9: {  	s23 =	sadd.s32 $0x2800, s23;
	_ =	swait.ge @!p0 [sflag:s25], $0x280  }
0xba: {  	s28 =	sadd.s32 s28, s5;
	s24 =	sadd.s32 $0x14000, s24;
	[sflag:s25] =	ssyncset.done @!p0 $0x0  }
0xbb: {  	p1 =	sgt.u32 s28, $0xF9  }
0xbc: {  	[sflag:s25] =	ssyncadd.s32 @!p0 $0xFFFFFD80;
	s4 =	sadd.s32 $0x1, s4;
	s25 =	sshll.u32 @!p1 s5, $0x6  }
0xbd: {  	s26 =	simm.s32 @!p1 $0x7;
	s23 =	sadd.s32 @!p1 s23, s8;
	p0 =	sne.s32 s4, s9  }
.Ltmp6:
0xbe: {  	s24 =	sshrl.u32 @!p1 s24, $0x3;
	s25 =	sor.u32 @!p1 $0x1C07, s25;
	(pc) =	sbr.rel @p0 .LBB2_1-.Ltmp6, $4  }
0xbf: {  	[hbm:s23], [sflag:s25] =	dma.local @!p1 [spmem:s24], $0x280  }
0xc0: {  	_ =	swait.ge @!p1 [sflag:s26], $0x280  }
0xc1: {  	[sflag:s26] =	ssyncset.done @!p1 $0x0  }
0xc2: {  	[sflag:s26] =	ssyncadd.s32 @!p1 $0xFFFFFD80  }
0xc3: {  	_ =	sfence.sel $0x180000  }
0xc4: {  	[bflag:$0x0] =	sbarrier.arrive $0xFFFF  }
0xc5: {  	p0 =	sne.s32 s5, $0x0;
	_ =	strace $0x90000047  }
0xc6: {  	s0 =	sadd.s32 @!p0 $0x100000, s0;
	[bflag:$0x2] =	sbarrier.arrive $0xFFFF  }
0xc7: {  	[sflag:s0] =	ssyncadd.tile.s32 @!p0 $0x1;
	_ =	shalt  }
.Lfunc_end2:
_tile_overlayer_lowered:
.L_overlay_start_2:
0xc8: {  	(tag) =	ssettag $0x2  }
0xc9: {  	s0 =	rddreg [dreg:$0x0];
	s2 =	stileid.u32  }
0xca: {  	s1 =	rddreg [dreg:$0x1];
	p0 =	sne.s32 s2, $0x0  }
0xcb: {  	s3 =	rddreg [dreg:$0x2];
	[bflag:$0x3] =	sbarrier.arrive $0xFFFF;
	s2 =	simm.s32 @!p0 $0x1C07  }
0xcc: {  	[timem:s3], [sflag:s2] =	dma.local @!p0 [hbm:s0], s1  }
0xcd: {  	s0 =	simm.s32 @!p0 $0x7  }
0xce: {  	_ =	swait.ge @!p0 [sflag:s0], s1  }
0xcf: {  	s1 =	ssub.s32 @!p0 $0x0, s1;
	[sflag:s0] =	ssyncset.done @!p0 $0x0  }
0xd0: {  	[sflag:s0] =	ssyncadd.s32 @!p0 s1  }
0xd1: {  	[bflag:$0x3] =	sbarrier.arrive $0xFFFF  }
0xd2: {  	_ =	shalt  }

</sc_bundles>
